<compile_context>
chip_gen: v7x
topology: tpu7x:2x2x1
jax: 0.10.2.dev20260603
libtpu: 0.0.44.dev20260713+nightly
codegen_flags: <defaults>
</compile_context>

<pallas_src>
import functools

import jax
import jax.numpy as jnp
from jax import lax
from jax.experimental import pallas as pl
from jax.experimental.pallas import tpu as pltpu
from jax.experimental.pallas import tpu_sc as plsc

B = 4096
F = 512
G = 16
T = 16


_NBANK = 4


def _sc_gathers(users, pos_items, neg_items, beta1d, gut, git, tut):
    info = plsc.get_sparse_core_info()
    nw = info.num_cores * info.num_subcores
    bpw = B // nw

    mesh = plsc.VectorSubcoreMesh(core_axis_name="c", subcore_axis_name="s")

    @functools.partial(
        pl.kernel,
        mesh=mesh,
        compiler_params=pltpu.CompilerParams(use_tc_tiling_on_sc=True,
                                             needs_layout_passes=False),
        out_type=[
            jax.ShapeDtypeStruct((G, B), jnp.float32),
            jax.ShapeDtypeStruct((T, B), jnp.float32),
            jax.ShapeDtypeStruct((G, B), jnp.float32),
            jax.ShapeDtypeStruct((G, B), jnp.float32),
            jax.ShapeDtypeStruct((B,), jnp.float32),
            jax.ShapeDtypeStruct((B,), jnp.float32),
        ],
        scratch_types=[
            pltpu.VMEM((bpw,), jnp.int32),
            pltpu.VMEM((bpw,), jnp.int32),
            pltpu.VMEM((bpw,), jnp.int32),
            [[pltpu.VMEM((16, 128), jnp.float32) for _ in range(_NBANK)]
             for _ in range(4)],
            pltpu.VMEM((G, bpw), jnp.float32),
            pltpu.VMEM((T, bpw), jnp.float32),
            pltpu.VMEM((G, bpw), jnp.float32),
            pltpu.VMEM((G, bpw), jnp.float32),
            pltpu.VMEM((bpw,), jnp.float32),
            pltpu.VMEM((bpw,), jnp.float32),
            [[pltpu.SemaphoreType.DMA for _ in range(_NBANK)]
             for _ in range(4)],
            pltpu.SemaphoreType.DMA,
        ],
    )
    def k(users_h, pos_h, neg_h, beta_h, gu_h, gi_h, tu_h,
          ugo, uto, gpo, gno, bpo, bno,
          iu_v, ip_v, in_v,
          banks, ug_v, ut_v, gp_v, gn_v, bp_v, bn_v,
          sems, semb):
        wid = lax.axis_index("s") * info.num_cores + lax.axis_index("c")
        base = wid * bpw
        pltpu.sync_copy(users_h.at[pl.ds(base, bpw)], iu_v)
        pltpu.sync_copy(pos_h.at[pl.ds(base, bpw)], ip_v)
        pltpu.sync_copy(neg_h.at[pl.ds(base, bpw)], in_v)
        cpb1 = pltpu.async_copy(beta_h.at[ip_v], bp_v, semb)
        cpb2 = pltpu.async_copy(beta_h.at[in_v], bn_v, semb)
        lanes = lax.iota(jnp.int32, 16)
        zeros = jnp.full((16,), 0, jnp.int32)

        def bcast_idx(idx_ref, i):
            return plsc.load_gather(idx_ref, [zeros + i])

        def fetch(tab, idx_ref, i, s, p):
            bc = bcast_idx(idx_ref, i)
            col0_v = lax.shift_left(lax.shift_right_logical(bc, 7), 7)
            col0 = pl.multiple_of(lax.reduce_max(col0_v, (0,)), 128)
            pltpu.async_copy(tab.at[:, pl.ds(col0, 128)], banks[s][p],
                             sems[s][p])

        def drain(tab, s, p):
            pltpu.make_async_copy(tab.at[:, pl.ds(0, 128)], banks[s][p],
                                  sems[s][p]).wait()

        def extract(idx_ref, i, s, p, out_v):
            col = lax.bitwise_and(bcast_idx(idx_ref, i), 127)
            val = plsc.load_gather(banks[s][p], [lanes, col])
            plsc.store_scatter(out_v, [lanes, zeros + i], val)

        streams = ((gu_h, iu_v, ug_v), (tu_h, iu_v, ut_v),
                   (gi_h, ip_v, gp_v), (gi_h, in_v, gn_v))

        def body(b, _):
            for p in range(_NBANK):
                for s, (tab, idx_ref, out_v) in enumerate(streams):

                    @pl.when((b > 0) & ((b - 1) * _NBANK + p < bpw))
                    def _(tab=tab, idx_ref=idx_ref, out_v=out_v, s=s, p=p):
                        drain(tab, s, p)
                        extract(idx_ref, (b - 1) * _NBANK + p, s, p, out_v)

                    @pl.when(b * _NBANK + p < bpw)
                    def _(tab=tab, idx_ref=idx_ref, s=s, p=p):
                        fetch(tab, idx_ref, b * _NBANK + p, s, p)

            return 0

        lax.fori_loop(0, -(-bpw // _NBANK) + 1, body, 0)
        cpb1.wait()
        cpb2.wait()
        csl = pl.ds(base, bpw)
        pltpu.sync_copy(ug_v, ugo.at[:, csl])
        pltpu.sync_copy(ut_v, uto.at[:, csl])
        pltpu.sync_copy(gp_v, gpo.at[:, csl])
        pltpu.sync_copy(gn_v, gno.at[:, csl])
        pltpu.sync_copy(bp_v, bpo.at[csl])
        pltpu.sync_copy(bn_v, bno.at[csl])

    return k(users, pos_items, neg_items, beta1d, gut, git, tut)


_T1_BLK = 512


def _t1_body(pos_ref, neg_ref, et_ref, bpr_ref, tid_ref, t_ref):
    fd = pos_ref[...] - neg_ref[...]
    tid_ref[...] = lax.dot_general(
        et_ref[...], fd, (((1,), (1,)), ((), ())),
        preferred_element_type=jnp.float32,
        precision=lax.Precision.HIGHEST)
    t_ref[...] = jnp.dot(fd, bpr_ref[...], preferred_element_type=jnp.float32,
                         precision=lax.Precision.HIGHEST)


def _compute_t1(pos_feat, neg_feat, e_t, bpr):
    grid = (B // _T1_BLK,)
    return pl.pallas_call(
        _t1_body,
        grid=grid,
        in_specs=[
            pl.BlockSpec((_T1_BLK, F), lambda i: (i, 0)),
            pl.BlockSpec((_T1_BLK, F), lambda i: (i, 0)),
            pl.BlockSpec((T, F), lambda i: (0, 0)),
            pl.BlockSpec((F, 1), lambda i: (0, 0)),
        ],
        out_specs=[
            pl.BlockSpec((T, _T1_BLK), lambda i: (0, i)),
            pl.BlockSpec((_T1_BLK, 1), lambda i: (i, 0)),
        ],
        out_shape=[
            jax.ShapeDtypeStruct((T, B), jnp.float32),
            jax.ShapeDtypeStruct((B, 1), jnp.float32),
        ],
    )(pos_feat, neg_feat, e_t, bpr)


def _t2_body(ug_ref, ut_ref, gp_ref, gn_ref, tid_ref, bp_ref, bn_ref, s_ref):
    s = (bp_ref[...] - bn_ref[...]
         + jnp.sum(ug_ref[...] * (gp_ref[...] - gn_ref[...]), axis=0,
                   keepdims=True)
         + jnp.sum(ut_ref[...] * tid_ref[...], axis=0, keepdims=True))
    s_ref[...] = s


def _compute_s(ug_t, ut_t, gp_t, gn_t, tid_t, bp_row, bn_row):
    return pl.pallas_call(
        _t2_body,
        out_shape=jax.ShapeDtypeStruct((1, B), jnp.float32),
    )(ug_t, ut_t, gp_t, gn_t, tid_t, bp_row, bn_row)


_X_ROWS = 256


def _xuij_body(t_ref, s_ref, out_ref):
    out_ref[...] = t_ref[...] + s_ref[...]


def _compute_xuij(t_col, s_row):
    grid = (B // _X_ROWS,)
    return pl.pallas_call(
        _xuij_body,
        grid=grid,
        in_specs=[
            pl.BlockSpec((_X_ROWS, 1), lambda i: (i, 0)),
            pl.BlockSpec((1, B), lambda i: (0, 0)),
        ],
        out_specs=pl.BlockSpec((_X_ROWS, B), lambda i: (i, 0)),
        out_shape=jax.ShapeDtypeStruct((B, B), jnp.float32),
    )(t_col, s_row)


def kernel(users, pos_items, neg_items, pos_items_features, neg_items_features,
           beta_items, gamma_users, gamma_items, theta_users, E, beta_prime):
    users = users.astype(jnp.int32)
    pos_items = pos_items.astype(jnp.int32)
    neg_items = neg_items.astype(jnp.int32)

    gut = jnp.transpose(gamma_users)
    git = jnp.transpose(gamma_items)
    tut = jnp.transpose(theta_users)

    ug_t, ut_t, gp_t, gn_t, bp, bn = _sc_gathers(
        users, pos_items, neg_items, beta_items, gut, git, tut)

    tid_t, t_col = _compute_t1(pos_items_features, neg_items_features,
                               jnp.transpose(E), beta_prime)

    s_row = _compute_s(ug_t, ut_t, gp_t, gn_t, tid_t,
                       bp.reshape(1, B), bn.reshape(1, B))

    xuij = _compute_xuij(t_col, s_row)

    return (xuij,
            (jnp.transpose(ug_t), jnp.transpose(ut_t)),
            (bp, bn),
            (jnp.transpose(gp_t), jnp.transpose(gn_t)))

# --- scband reference (transcript-rebuilt; emitter-appended) ---
"""Pipeline reference for scband-vbprnetwork-13065290515114 (READ-ONLY COPY).

The authoritative reference and input builder live on the scoring server;
editing this copy changes nothing except your own understanding.
"""

import jax, jax.numpy as jnp
import numpy as np

N_USERS = 1000000
N_ITEMS = 1000000
F_DIM = 512
G_DIM = 16
T_DIM = 16
B = 4096


def setup_inputs(seed: int = 0) -> dict:
    key = jax.random.key(seed)
    ks = jax.random.split(key, 11)
    users = jax.random.randint(ks[0], (B,), 0, N_USERS, dtype=jnp.int64 if jax.config.jax_enable_x64 else jnp.int32)
    pos_items = jax.random.randint(ks[1], (B,), 0, N_ITEMS, dtype=jnp.int64 if jax.config.jax_enable_x64 else jnp.int32)
    neg_items = jax.random.randint(ks[2], (B,), 0, N_ITEMS, dtype=jnp.int64 if jax.config.jax_enable_x64 else jnp.int32)
    pos_items_features = jax.random.normal(ks[3], (B, F_DIM), dtype=jnp.float32)
    neg_items_features = jax.random.normal(ks[4], (B, F_DIM), dtype=jnp.float32)
    # learned parameters (xavier-like scale)
    beta_items = jax.random.normal(ks[5], (N_ITEMS,), dtype=jnp.float32) * 0.01
    gamma_users = jax.random.normal(ks[6], (N_USERS, G_DIM), dtype=jnp.float32) * 0.05
    gamma_items = jax.random.normal(ks[7], (N_ITEMS, G_DIM), dtype=jnp.float32) * 0.05
    theta_users = jax.random.normal(ks[8], (N_USERS, T_DIM), dtype=jnp.float32) * 0.05
    E = jax.random.normal(ks[9], (F_DIM, T_DIM), dtype=jnp.float32) * 0.05
    beta_prime = jax.random.normal(ks[10], (F_DIM, 1), dtype=jnp.float32) * 0.05
    return {
        "users": users,
        "pos_items": pos_items,
        "neg_items": neg_items,
        "pos_items_features": pos_items_features,
        "neg_items_features": neg_items_features,
        "beta_items": beta_items,
        "gamma_users": gamma_users,
        "gamma_items": gamma_items,
        "theta_users": theta_users,
        "E": E,
        "beta_prime": beta_prime,
    }


def reference(users, pos_items, neg_items, pos_items_features, neg_items_features,
              beta_items, gamma_users, gamma_items, theta_users, E, beta_prime):
    feature_diff = pos_items_features - neg_items_features  # [B, F]
    beta_items_pos = jnp.take(beta_items, pos_items, axis=0)  # [B]
    beta_items_neg = jnp.take(beta_items, neg_items, axis=0)  # [B]
    beta_items_diff = beta_items_pos - beta_items_neg  # [B]
    user_gamma = jnp.take(gamma_users, users, axis=0)  # [B, G]
    user_theta = jnp.take(theta_users, users, axis=0)  # [B, T]
    gamma_items_pos = jnp.take(gamma_items, pos_items, axis=0)  # [B, G]
    gamma_items_neg = jnp.take(gamma_items, neg_items, axis=0)  # [B, G]
    gamma_items_diff = gamma_items_pos - gamma_items_neg  # [B, G]
    theta_item_diff = feature_diff @ E  # [B, T]
    # NOTE: faithful to the original torch code: the last term is [B, 1],
    # which broadcasts against the [B] terms to yield a [B, B] output.
    Xuij = (beta_items_diff
            + (user_gamma * gamma_items_diff).sum(axis=1)
            + (user_theta * theta_item_diff).sum(axis=1)
            + feature_diff @ beta_prime)
    return (Xuij,
            (user_gamma, user_theta),
            (beta_items_pos, beta_items_neg),
            (gamma_items_pos, gamma_items_neg))

if __name__ == "__main__":
    import jax
    _d = setup_inputs()
    print(jax.jit(kernel)(*tuple(_d.values())))

</pallas_src>

<mosaic_0001>
#map = affine_map<(d0, d1) -> (0)>
#map1 = affine_map<(d0, d1) -> (0, 0)>
module attributes {stable_mosaic.version = 14 : i64} {
  func.func @k(%arg0: i32, %arg1: i32, %arg2: memref<4096xi32, #tpu.memory_space<hbm>>, %arg3: memref<4096xi32, #tpu.memory_space<hbm>>, %arg4: memref<4096xi32, #tpu.memory_space<hbm>>, %arg5: memref<1000000xf32, #tpu.memory_space<hbm>>, %arg6: memref<16x1000000xf32, #tpu.memory_space<hbm>>, %arg7: memref<16x1000000xf32, #tpu.memory_space<hbm>>, %arg8: memref<16x1000000xf32, #tpu.memory_space<hbm>>, %arg9: memref<16x4096xf32, #tpu.memory_space<hbm>>, %arg10: memref<16x4096xf32, #tpu.memory_space<hbm>>, %arg11: memref<16x4096xf32, #tpu.memory_space<hbm>>, %arg12: memref<16x4096xf32, #tpu.memory_space<hbm>>, %arg13: memref<4096xf32, #tpu.memory_space<hbm>>, %arg14: memref<4096xf32, #tpu.memory_space<hbm>>, %arg15: memref<128xi32, #tpu.memory_space<vmem>>, %arg16: memref<128xi32, #tpu.memory_space<vmem>>, %arg17: memref<128xi32, #tpu.memory_space<vmem>>, %arg18: memref<16x128xf32, #tpu.memory_space<vmem>>, %arg19: memref<16x128xf32, #tpu.memory_space<vmem>>, %arg20: memref<16x128xf32, #tpu.memory_space<vmem>>, %arg21: memref<16x128xf32, #tpu.memory_space<vmem>>, %arg22: memref<16x128xf32, #tpu.memory_space<vmem>>, %arg23: memref<16x128xf32, #tpu.memory_space<vmem>>, %arg24: memref<16x128xf32, #tpu.memory_space<vmem>>, %arg25: memref<16x128xf32, #tpu.memory_space<vmem>>, %arg26: memref<16x128xf32, #tpu.memory_space<vmem>>, %arg27: memref<16x128xf32, #tpu.memory_space<vmem>>, %arg28: memref<16x128xf32, #tpu.memory_space<vmem>>, %arg29: memref<16x128xf32, #tpu.memory_space<vmem>>, %arg30: memref<16x128xf32, #tpu.memory_space<vmem>>, %arg31: memref<16x128xf32, #tpu.memory_space<vmem>>, %arg32: memref<16x128xf32, #tpu.memory_space<vmem>>, %arg33: memref<16x128xf32, #tpu.memory_space<vmem>>, %arg34: memref<16x128xf32, #tpu.memory_space<vmem>>, %arg35: memref<16x128xf32, #tpu.memory_space<vmem>>, %arg36: memref<16x128xf32, #tpu.memory_space<vmem>>, %arg37: memref<16x128xf32, #tpu.memory_space<vmem>>, %arg38: memref<128xf32, #tpu.memory_space<vmem>>, %arg39: memref<128xf32, #tpu.memory_space<vmem>>, %arg40: memref<!tpu.dma_semaphore, #tpu.memory_space<semaphore_mem>>, %arg41: memref<!tpu.dma_semaphore, #tpu.memory_space<semaphore_mem>>, %arg42: memref<!tpu.dma_semaphore, #tpu.memory_space<semaphore_mem>>, %arg43: memref<!tpu.dma_semaphore, #tpu.memory_space<semaphore_mem>>, %arg44: memref<!tpu.dma_semaphore, #tpu.memory_space<semaphore_mem>>, %arg45: memref<!tpu.dma_semaphore, #tpu.memory_space<semaphore_mem>>, %arg46: memref<!tpu.dma_semaphore, #tpu.memory_space<semaphore_mem>>, %arg47: memref<!tpu.dma_semaphore, #tpu.memory_space<semaphore_mem>>, %arg48: memref<!tpu.dma_semaphore, #tpu.memory_space<semaphore_mem>>, %arg49: memref<!tpu.dma_semaphore, #tpu.memory_space<semaphore_mem>>, %arg50: memref<!tpu.dma_semaphore, #tpu.memory_space<semaphore_mem>>, %arg51: memref<!tpu.dma_semaphore, #tpu.memory_space<semaphore_mem>>, %arg52: memref<!tpu.dma_semaphore, #tpu.memory_space<semaphore_mem>>, %arg53: memref<!tpu.dma_semaphore, #tpu.memory_space<semaphore_mem>>, %arg54: memref<!tpu.dma_semaphore, #tpu.memory_space<semaphore_mem>>, %arg55: memref<!tpu.dma_semaphore, #tpu.memory_space<semaphore_mem>>, %arg56: memref<!tpu.dma_semaphore, #tpu.memory_space<semaphore_mem>>) attributes {dimension_semantics = [#tpu.dimension_semantics<core_parallel>, #tpu.dimension_semantics<subcore_parallel>], iteration_bounds = array<i64: 2, 16>, scalar_prefetch = 0 : i64, scratch_operands = 42 : i64, tpu.core_type = #tpu.core_type<sc_vector_subcore>, window_params = [{transform_indices = #map}, {transform_indices = #map}, {transform_indices = #map}, {transform_indices = #map}, {transform_indices = #map1}, {transform_indices = #map1}, {transform_indices = #map1}, {transform_indices = #map1}, {transform_indices = #map1}, {transform_indices = #map1}, {transform_indices = #map1}, {transform_indices = #map}, {transform_indices = #map}]} {
    %mul3A = arith.constant 2 : i32
    %mul3A_0 = arith.muli %arg1, %mul3A : i32
    %add3A = arith.addi %mul3A_0, %arg0 : i32
    %mul3A_1 = arith.constant 128 : i32
    %mul3A_2 = arith.muli %add3A, %mul3A_1 : i32
    "tpu.region"() ({
      %run_scoped3A = tpu.sem_alloc : memref<!tpu.dma_semaphore, #tpu.memory_space<semaphore_mem>>
      %dma_start3A_16 = tpu.memref_slice %arg2[%mul3A_2] : memref<4096xi32, #tpu.memory_space<hbm>> -> memref<128xi32, #tpu.memory_space<hbm>>
      %dma_start3A_17 = tpu.memref_slice %arg2[%mul3A_2] : memref<4096xi32, #tpu.memory_space<hbm>> -> memref<128xi32, #tpu.memory_space<hbm>>
      tpu.enqueue_dma source(%dma_start3A_17 : memref<128xi32, #tpu.memory_space<hbm>>) target(%arg15 : memref<128xi32, #tpu.memory_space<vmem>>) target_semaphore(%run_scoped3A : memref<!tpu.dma_semaphore, #tpu.memory_space<semaphore_mem>>)
      %dma_wait3A_18 = tpu.memref_slice %arg2[%mul3A_2] : memref<4096xi32, #tpu.memory_space<hbm>> -> memref<128xi32, #tpu.memory_space<hbm>>
      %dma_wait3A_19 = tpu.memref_slice %arg2[%mul3A_2] : memref<4096xi32, #tpu.memory_space<hbm>> -> memref<128xi32, #tpu.memory_space<hbm>>
      tpu.wait_dma2 semaphore(%run_scoped3A : memref<!tpu.dma_semaphore, #tpu.memory_space<semaphore_mem>>) src(%dma_wait3A_19 : memref<128xi32, #tpu.memory_space<hbm>>) dst(%arg15 : memref<128xi32, #tpu.memory_space<vmem>>)
      tpu.yield
    }) : () -> ()
    "tpu.region"() ({
      %run_scoped3A = tpu.sem_alloc : memref<!tpu.dma_semaphore, #tpu.memory_space<semaphore_mem>>
      %dma_start3A_16 = tpu.memref_slice %arg3[%mul3A_2] : memref<4096xi32, #tpu.memory_space<hbm>> -> memref<128xi32, #tpu.memory_space<hbm>>
      %dma_start3A_17 = tpu.memref_slice %arg3[%mul3A_2] : memref<4096xi32, #tpu.memory_space<hbm>> -> memref<128xi32, #tpu.memory_space<hbm>>
      tpu.enqueue_dma source(%dma_start3A_17 : memref<128xi32, #tpu.memory_space<hbm>>) target(%arg16 : memref<128xi32, #tpu.memory_space<vmem>>) target_semaphore(%run_scoped3A : memref<!tpu.dma_semaphore, #tpu.memory_space<semaphore_mem>>)
      %dma_wait3A_18 = tpu.memref_slice %arg3[%mul3A_2] : memref<4096xi32, #tpu.memory_space<hbm>> -> memref<128xi32, #tpu.memory_space<hbm>>
      %dma_wait3A_19 = tpu.memref_slice %arg3[%mul3A_2] : memref<4096xi32, #tpu.memory_space<hbm>> -> memref<128xi32, #tpu.memory_space<hbm>>
      tpu.wait_dma2 semaphore(%run_scoped3A : memref<!tpu.dma_semaphore, #tpu.memory_space<semaphore_mem>>) src(%dma_wait3A_19 : memref<128xi32, #tpu.memory_space<hbm>>) dst(%arg16 : memref<128xi32, #tpu.memory_space<vmem>>)
      tpu.yield
    }) : () -> ()
    "tpu.region"() ({
      %run_scoped3A = tpu.sem_alloc : memref<!tpu.dma_semaphore, #tpu.memory_space<semaphore_mem>>
      %dma_start3A_16 = tpu.memref_slice %arg4[%mul3A_2] : memref<4096xi32, #tpu.memory_space<hbm>> -> memref<128xi32, #tpu.memory_space<hbm>>
      %dma_start3A_17 = tpu.memref_slice %arg4[%mul3A_2] : memref<4096xi32, #tpu.memory_space<hbm>> -> memref<128xi32, #tpu.memory_space<hbm>>
      tpu.enqueue_dma source(%dma_start3A_17 : memref<128xi32, #tpu.memory_space<hbm>>) target(%arg17 : memref<128xi32, #tpu.memory_space<vmem>>) target_semaphore(%run_scoped3A : memref<!tpu.dma_semaphore, #tpu.memory_space<semaphore_mem>>)
      %dma_wait3A_18 = tpu.memref_slice %arg4[%mul3A_2] : memref<4096xi32, #tpu.memory_space<hbm>> -> memref<128xi32, #tpu.memory_space<hbm>>
      %dma_wait3A_19 = tpu.memref_slice %arg4[%mul3A_2] : memref<4096xi32, #tpu.memory_space<hbm>> -> memref<128xi32, #tpu.memory_space<hbm>>
      tpu.wait_dma2 semaphore(%run_scoped3A : memref<!tpu.dma_semaphore, #tpu.memory_space<semaphore_mem>>) src(%dma_wait3A_19 : memref<128xi32, #tpu.memory_space<hbm>>) dst(%arg17 : memref<128xi32, #tpu.memory_space<vmem>>)
      tpu.yield
    }) : () -> ()
    %dma_start3A = arith.constant 0 : i32
    %dma_start3A_3 = tpu.memref_slice %arg5[%dma_start3A] : memref<1000000xf32, #tpu.memory_space<hbm>> -> memref<1000000xf32, #tpu.memory_space<hbm>>
    tpu.enqueue_indirect_dma source(%dma_start3A_3 : memref<1000000xf32, #tpu.memory_space<hbm>>) target(%arg38 : memref<128xf32, #tpu.memory_space<vmem>>) offsets(%arg16 : memref<128xi32, #tpu.memory_space<vmem>>) semaphore(%arg56 : memref<!tpu.dma_semaphore, #tpu.memory_space<semaphore_mem>>)
    %dma_start3A_4 = arith.constant 0 : i32
    %dma_start3A_5 = tpu.memref_slice %arg5[%dma_start3A_4] : memref<1000000xf32, #tpu.memory_space<hbm>> -> memref<1000000xf32, #tpu.memory_space<hbm>>
    tpu.enqueue_indirect_dma source(%dma_start3A_5 : memref<1000000xf32, #tpu.memory_space<hbm>>) target(%arg39 : memref<128xf32, #tpu.memory_space<vmem>>) offsets(%arg17 : memref<128xi32, #tpu.memory_space<vmem>>) semaphore(%arg56 : memref<!tpu.dma_semaphore, #tpu.memory_space<semaphore_mem>>)
    %iota3A = tpu.iota {dimensions = array<i32: 0>} : vector<16xi32>
    %broadcast_in_dim3A = arith.constant 0 : i32
    %broadcast_in_dim3A_6 = vector.broadcast %broadcast_in_dim3A : i32 to vector<16xi32>
    %scan3A = arith.constant 0 : i32
    %scan3A_7 = arith.constant 0 : i32
    %scan3A_8 = arith.constant 33 : i32
    %scan3A_9 = arith.addi %scan3A_7, %scan3A_8 : i32
    %scan3A_10 = arith.constant 1 : i32
    %scan3A_11 = scf.for %scan3A_16 = %scan3A_7 to %scan3A_9 step %scan3A_10 iter_args(%scan3A_17 = %scan3A) -> (i32)  : i32 {
      %gt3A = arith.constant 0 : i32
      %gt3A_18 = arith.cmpi sgt, %scan3A_16, %gt3A : i32
      %sub3A = arith.constant 1 : i32
      %sub3A_19 = arith.subi %scan3A_16, %sub3A : i32
      %mul3A_20 = arith.constant 4 : i32
      %mul3A_21 = arith.muli %sub3A_19, %mul3A_20 : i32
      %add3A_22 = arith.constant 0 : i32
      %add3A_23 = arith.addi %mul3A_21, %add3A_22 : i32
      %lt3A = arith.constant 128 : i32
      %lt3A_24 = arith.cmpi slt, %add3A_23, %lt3A : i32
      %and3A = arith.andi %gt3A_18, %lt3A_24 : i1
      %convert_element_type3A = arith.extui %and3A : i1 to i32
      %cond3A = arith.constant 0 : i32
      %cond3A_25 = arith.cmpi ne, %convert_element_type3A, %cond3A : i32
      scf.if %cond3A_25 {
        %dma_wait3A_381 = arith.constant 0 : i32
        %dma_wait3A_382 = arith.constant 0 : i32
        %dma_wait3A_383 = tpu.memref_slice %arg6[%dma_wait3A_381, %dma_wait3A_382] : memref<16x1000000xf32, #tpu.memory_space<hbm>> -> memref<16x128xf32, #tpu.memory_space<hbm>>
        %dma_wait3A_384 = arith.constant 0 : i32
        %dma_wait3A_385 = arith.constant 0 : i32
        %dma_wait3A_386 = tpu.memref_slice %arg6[%dma_wait3A_384, %dma_wait3A_385] : memref<16x1000000xf32, #tpu.memory_space<hbm>> -> memref<16x128xf32, #tpu.memory_space<hbm>>
        tpu.wait_dma2 semaphore(%arg40 : memref<!tpu.dma_semaphore, #tpu.memory_space<semaphore_mem>>) src(%dma_wait3A_386 : memref<16x128xf32, #tpu.memory_space<hbm>>) dst(%arg18 : memref<16x128xf32, #tpu.memory_space<vmem>>)
        %sub3A_387 = arith.constant 1 : i32
        %sub3A_388 = arith.subi %scan3A_16, %sub3A_387 : i32
        %mul3A_389 = arith.constant 4 : i32
        %mul3A_390 = arith.muli %sub3A_388, %mul3A_389 : i32
        %add3A_391 = arith.constant 0 : i32
        %add3A_392 = arith.addi %mul3A_390, %add3A_391 : i32
        %add3A_393 = vector.broadcast %add3A_392 : i32 to vector<16xi32>
        %add3A_394 = arith.addi %broadcast_in_dim3A_6, %add3A_393 : vector<16xi32>
        %gather3A = tpu.vector_load_idx %arg15[%add3A_394] : memref<128xi32, #tpu.memory_space<vmem>>[vector<16xi32>], vector<16xi32>,
        %and3A_395 = arith.constant 127 : i32
        %and3A_396 = vector.broadcast %and3A_395 : i32 to vector<16xi32>
        %and3A_397 = arith.andi %gather3A, %and3A_396 : vector<16xi32>
        %gather3A_398 = tpu.vector_load_idx %arg18[%iota3A, %and3A_397] : memref<16x128xf32, #tpu.memory_space<vmem>>[vector<16xi32>, vector<16xi32>], vector<16xf32>,
        %add3A_399 = vector.broadcast %add3A_392 : i32 to vector<16xi32>
        %add3A_400 = arith.addi %broadcast_in_dim3A_6, %add3A_399 : vector<16xi32>
        tpu.vector_store_idx %arg34[%iota3A, %add3A_400], %gather3A_398 : memref<16x128xf32, #tpu.memory_space<vmem>>[vector<16xi32>, vector<16xi32>], vector<16xf32>,
      } else {
      }
      %mul3A_26 = arith.constant 4 : i32
      %mul3A_27 = arith.muli %scan3A_16, %mul3A_26 : i32
      %add3A_28 = arith.constant 0 : i32
      %add3A_29 = arith.addi %mul3A_27, %add3A_28 : i32
      %lt3A_30 = arith.constant 128 : i32
      %lt3A_31 = arith.cmpi slt, %add3A_29, %lt3A_30 : i32
      %convert_element_type3A_32 = arith.extui %lt3A_31 : i1 to i32
      %cond3A_33 = arith.constant 0 : i32
      %cond3A_34 = arith.cmpi ne, %convert_element_type3A_32, %cond3A_33 : i32
      scf.if %cond3A_34 {
        %mul3A_381 = arith.constant 4 : i32
        %mul3A_382 = arith.muli %scan3A_16, %mul3A_381 : i32
        %add3A_383 = arith.constant 0 : i32
        %add3A_384 = arith.addi %mul3A_382, %add3A_383 : i32
        %add3A_385 = vector.broadcast %add3A_384 : i32 to vector<16xi32>
        %add3A_386 = arith.addi %broadcast_in_dim3A_6, %add3A_385 : vector<16xi32>
        %gather3A = tpu.vector_load_idx %arg15[%add3A_386] : memref<128xi32, #tpu.memory_space<vmem>>[vector<16xi32>], vector<16xi32>,
        %shift_right_logical3A = arith.constant 7 : i32
        %shift_right_logical3A_387 = vector.broadcast %shift_right_logical3A : i32 to vector<16xi32>
        %shift_right_logical3A_388 = arith.shrui %gather3A, %shift_right_logical3A_387 : vector<16xi32>
        %shift_left3A = arith.constant 7 : i32
        %shift_left3A_389 = vector.broadcast %shift_left3A : i32 to vector<16xi32>
        %shift_left3A_390 = arith.shli %shift_right_logical3A_388, %shift_left3A_389 : vector<16xi32>
        %reduce_max3A = arith.constant true
        %reduce_max3A_391 = vector.broadcast %reduce_max3A : i1 to vector<16xi1>
        %reduce_max3A_392 = arith.constant -2147483648 : i32
        %reduce_max3A_393 = vector.broadcast %reduce_max3A_392 : i32 to vector<16xi32>
        %reduce_max3A_394 = arith.xori %shift_left3A_390, %reduce_max3A_393 : vector<16xi32>
        %reduce_max3A_395 = tpu.scan <max>, %reduce_max3A_394 masked %reduce_max3A_391 : vector<16xi32>, vector<16xi1> -> vector<16xi32>
        %reduce_max3A_396 = arith.xori %reduce_max3A_395, %reduce_max3A_393 : vector<16xi32>
        %reduce_max3A_397 = vector.extract %reduce_max3A_396[15] : i32 from vector<16xi32>
        %multiple_of3A = tpu.assume_multiple %reduce_max3A_397, 128 : i32
        %dma_start3A_398 = arith.constant 0 : i32
        %dma_start3A_399 = tpu.memref_slice %arg6[%dma_start3A_398, %multiple_of3A] : memref<16x1000000xf32, #tpu.memory_space<hbm>> -> memref<16x128xf32, #tpu.memory_space<hbm>>
        %dma_start3A_400 = arith.constant 0 : i32
        %dma_start3A_401 = tpu.memref_slice %arg6[%dma_start3A_400, %multiple_of3A] : memref<16x1000000xf32, #tpu.memory_space<hbm>> -> memref<16x128xf32, #tpu.memory_space<hbm>>
        tpu.enqueue_dma source(%dma_start3A_401 : memref<16x128xf32, #tpu.memory_space<hbm>>) target(%arg18 : memref<16x128xf32, #tpu.memory_space<vmem>>) target_semaphore(%arg40 : memref<!tpu.dma_semaphore, #tpu.memory_space<semaphore_mem>>)
      } else {
      }
      %gt3A_35 = arith.constant 0 : i32
      %gt3A_36 = arith.cmpi sgt, %scan3A_16, %gt3A_35 : i32
      %sub3A_37 = arith.constant 1 : i32
      %sub3A_38 = arith.subi %scan3A_16, %sub3A_37 : i32
      %mul3A_39 = arith.constant 4 : i32
      %mul3A_40 = arith.muli %sub3A_38, %mul3A_39 : i32
      %add3A_41 = arith.constant 0 : i32
      %add3A_42 = arith.addi %mul3A_40, %add3A_41 : i32
      %lt3A_43 = arith.constant 128 : i32
      %lt3A_44 = arith.cmpi slt, %add3A_42, %lt3A_43 : i32
      %and3A_45 = arith.andi %gt3A_36, %lt3A_44 : i1
      %convert_element_type3A_46 = arith.extui %and3A_45 : i1 to i32
      %cond3A_47 = arith.constant 0 : i32
      %cond3A_48 = arith.cmpi ne, %convert_element_type3A_46, %cond3A_47 : i32
      scf.if %cond3A_48 {
        %dma_wait3A_381 = arith.constant 0 : i32
        %dma_wait3A_382 = arith.constant 0 : i32
        %dma_wait3A_383 = tpu.memref_slice %arg8[%dma_wait3A_381, %dma_wait3A_382] : memref<16x1000000xf32, #tpu.memory_space<hbm>> -> memref<16x128xf32, #tpu.memory_space<hbm>>
        %dma_wait3A_384 = arith.constant 0 : i32
        %dma_wait3A_385 = arith.constant 0 : i32
        %dma_wait3A_386 = tpu.memref_slice %arg8[%dma_wait3A_384, %dma_wait3A_385] : memref<16x1000000xf32, #tpu.memory_space<hbm>> -> memref<16x128xf32, #tpu.memory_space<hbm>>
        tpu.wait_dma2 semaphore(%arg44 : memref<!tpu.dma_semaphore, #tpu.memory_space<semaphore_mem>>) src(%dma_wait3A_386 : memref<16x128xf32, #tpu.memory_space<hbm>>) dst(%arg22 : memref<16x128xf32, #tpu.memory_space<vmem>>)
        %sub3A_387 = arith.constant 1 : i32
        %sub3A_388 = arith.subi %scan3A_16, %sub3A_387 : i32
        %mul3A_389 = arith.constant 4 : i32
        %mul3A_390 = arith.muli %sub3A_388, %mul3A_389 : i32
        %add3A_391 = arith.constant 0 : i32
        %add3A_392 = arith.addi %mul3A_390, %add3A_391 : i32
        %add3A_393 = vector.broadcast %add3A_392 : i32 to vector<16xi32>
        %add3A_394 = arith.addi %broadcast_in_dim3A_6, %add3A_393 : vector<16xi32>
        %gather3A = tpu.vector_load_idx %arg15[%add3A_394] : memref<128xi32, #tpu.memory_space<vmem>>[vector<16xi32>], vector<16xi32>,
        %and3A_395 = arith.constant 127 : i32
        %and3A_396 = vector.broadcast %and3A_395 : i32 to vector<16xi32>
        %and3A_397 = arith.andi %gather3A, %and3A_396 : vector<16xi32>
        %gather3A_398 = tpu.vector_load_idx %arg22[%iota3A, %and3A_397] : memref<16x128xf32, #tpu.memory_space<vmem>>[vector<16xi32>, vector<16xi32>], vector<16xf32>,
        %add3A_399 = vector.broadcast %add3A_392 : i32 to vector<16xi32>
        %add3A_400 = arith.addi %broadcast_in_dim3A_6, %add3A_399 : vector<16xi32>
        tpu.vector_store_idx %arg35[%iota3A, %add3A_400], %gather3A_398 : memref<16x128xf32, #tpu.memory_space<vmem>>[vector<16xi32>, vector<16xi32>], vector<16xf32>,
      } else {
      }
      %mul3A_49 = arith.constant 4 : i32
      %mul3A_50 = arith.muli %scan3A_16, %mul3A_49 : i32
      %add3A_51 = arith.constant 0 : i32
      %add3A_52 = arith.addi %mul3A_50, %add3A_51 : i32
      %lt3A_53 = arith.constant 128 : i32
      %lt3A_54 = arith.cmpi slt, %add3A_52, %lt3A_53 : i32
      %convert_element_type3A_55 = arith.extui %lt3A_54 : i1 to i32
      %cond3A_56 = arith.constant 0 : i32
      %cond3A_57 = arith.cmpi ne, %convert_element_type3A_55, %cond3A_56 : i32
      scf.if %cond3A_57 {
        %mul3A_381 = arith.constant 4 : i32
        %mul3A_382 = arith.muli %scan3A_16, %mul3A_381 : i32
        %add3A_383 = arith.constant 0 : i32
        %add3A_384 = arith.addi %mul3A_382, %add3A_383 : i32
        %add3A_385 = vector.broadcast %add3A_384 : i32 to vector<16xi32>
        %add3A_386 = arith.addi %broadcast_in_dim3A_6, %add3A_385 : vector<16xi32>
        %gather3A = tpu.vector_load_idx %arg15[%add3A_386] : memref<128xi32, #tpu.memory_space<vmem>>[vector<16xi32>], vector<16xi32>,
        %shift_right_logical3A = arith.constant 7 : i32
        %shift_right_logical3A_387 = vector.broadcast %shift_right_logical3A : i32 to vector<16xi32>
        %shift_right_logical3A_388 = arith.shrui %gather3A, %shift_right_logical3A_387 : vector<16xi32>
        %shift_left3A = arith.constant 7 : i32
        %shift_left3A_389 = vector.broadcast %shift_left3A : i32 to vector<16xi32>
        %shift_left3A_390 = arith.shli %shift_right_logical3A_388, %shift_left3A_389 : vector<16xi32>
        %reduce_max3A = arith.constant true
        %reduce_max3A_391 = vector.broadcast %reduce_max3A : i1 to vector<16xi1>
        %reduce_max3A_392 = arith.constant -2147483648 : i32
        %reduce_max3A_393 = vector.broadcast %reduce_max3A_392 : i32 to vector<16xi32>
        %reduce_max3A_394 = arith.xori %shift_left3A_390, %reduce_max3A_393 : vector<16xi32>
        %reduce_max3A_395 = tpu.scan <max>, %reduce_max3A_394 masked %reduce_max3A_391 : vector<16xi32>, vector<16xi1> -> vector<16xi32>
        %reduce_max3A_396 = arith.xori %reduce_max3A_395, %reduce_max3A_393 : vector<16xi32>
        %reduce_max3A_397 = vector.extract %reduce_max3A_396[15] : i32 from vector<16xi32>
        %multiple_of3A = tpu.assume_multiple %reduce_max3A_397, 128 : i32
        %dma_start3A_398 = arith.constant 0 : i32
        %dma_start3A_399 = tpu.memref_slice %arg8[%dma_start3A_398, %multiple_of3A] : memref<16x1000000xf32, #tpu.memory_space<hbm>> -> memref<16x128xf32, #tpu.memory_space<hbm>>
        %dma_start3A_400 = arith.constant 0 : i32
        %dma_start3A_401 = tpu.memref_slice %arg8[%dma_start3A_400, %multiple_of3A] : memref<16x1000000xf32, #tpu.memory_space<hbm>> -> memref<16x128xf32, #tpu.memory_space<hbm>>
        tpu.enqueue_dma source(%dma_start3A_401 : memref<16x128xf32, #tpu.memory_space<hbm>>) target(%arg22 : memref<16x128xf32, #tpu.memory_space<vmem>>) target_semaphore(%arg44 : memref<!tpu.dma_semaphore, #tpu.memory_space<semaphore_mem>>)
      } else {
      }
      %gt3A_58 = arith.constant 0 : i32
      %gt3A_59 = arith.cmpi sgt, %scan3A_16, %gt3A_58 : i32
      %sub3A_60 = arith.constant 1 : i32
      %sub3A_61 = arith.subi %scan3A_16, %sub3A_60 : i32
      %mul3A_62 = arith.constant 4 : i32
      %mul3A_63 = arith.muli %sub3A_61, %mul3A_62 : i32
      %add3A_64 = arith.constant 0 : i32
      %add3A_65 = arith.addi %mul3A_63, %add3A_64 : i32
      %lt3A_66 = arith.constant 128 : i32
      %lt3A_67 = arith.cmpi slt, %add3A_65, %lt3A_66 : i32
      %and3A_68 = arith.andi %gt3A_59, %lt3A_67 : i1
      %convert_element_type3A_69 = arith.extui %and3A_68 : i1 to i32
      %cond3A_70 = arith.constant 0 : i32
      %cond3A_71 = arith.cmpi ne, %convert_element_type3A_69, %cond3A_70 : i32
      scf.if %cond3A_71 {
        %dma_wait3A_381 = arith.constant 0 : i32
        %dma_wait3A_382 = arith.constant 0 : i32
        %dma_wait3A_383 = tpu.memref_slice %arg7[%dma_wait3A_381, %dma_wait3A_382] : memref<16x1000000xf32, #tpu.memory_space<hbm>> -> memref<16x128xf32, #tpu.memory_space<hbm>>
        %dma_wait3A_384 = arith.constant 0 : i32
        %dma_wait3A_385 = arith.constant 0 : i32
        %dma_wait3A_386 = tpu.memref_slice %arg7[%dma_wait3A_384, %dma_wait3A_385] : memref<16x1000000xf32, #tpu.memory_space<hbm>> -> memref<16x128xf32, #tpu.memory_space<hbm>>
        tpu.wait_dma2 semaphore(%arg48 : memref<!tpu.dma_semaphore, #tpu.memory_space<semaphore_mem>>) src(%dma_wait3A_386 : memref<16x128xf32, #tpu.memory_space<hbm>>) dst(%arg26 : memref<16x128xf32, #tpu.memory_space<vmem>>)
        %sub3A_387 = arith.constant 1 : i32
        %sub3A_388 = arith.subi %scan3A_16, %sub3A_387 : i32
        %mul3A_389 = arith.constant 4 : i32
        %mul3A_390 = arith.muli %sub3A_388, %mul3A_389 : i32
        %add3A_391 = arith.constant 0 : i32
        %add3A_392 = arith.addi %mul3A_390, %add3A_391 : i32
        %add3A_393 = vector.broadcast %add3A_392 : i32 to vector<16xi32>
        %add3A_394 = arith.addi %broadcast_in_dim3A_6, %add3A_393 : vector<16xi32>
        %gather3A = tpu.vector_load_idx %arg16[%add3A_394] : memref<128xi32, #tpu.memory_space<vmem>>[vector<16xi32>], vector<16xi32>,
        %and3A_395 = arith.constant 127 : i32
        %and3A_396 = vector.broadcast %and3A_395 : i32 to vector<16xi32>
        %and3A_397 = arith.andi %gather3A, %and3A_396 : vector<16xi32>
        %gather3A_398 = tpu.vector_load_idx %arg26[%iota3A, %and3A_397] : memref<16x128xf32, #tpu.memory_space<vmem>>[vector<16xi32>, vector<16xi32>], vector<16xf32>,
        %add3A_399 = vector.broadcast %add3A_392 : i32 to vector<16xi32>
        %add3A_400 = arith.addi %broadcast_in_dim3A_6, %add3A_399 : vector<16xi32>
        tpu.vector_store_idx %arg36[%iota3A, %add3A_400], %gather3A_398 : memref<16x128xf32, #tpu.memory_space<vmem>>[vector<16xi32>, vector<16xi32>], vector<16xf32>,
      } else {
      }
      %mul3A_72 = arith.constant 4 : i32
      %mul3A_73 = arith.muli %scan3A_16, %mul3A_72 : i32
      %add3A_74 = arith.constant 0 : i32
      %add3A_75 = arith.addi %mul3A_73, %add3A_74 : i32
      %lt3A_76 = arith.constant 128 : i32
      %lt3A_77 = arith.cmpi slt, %add3A_75, %lt3A_76 : i32
      %convert_element_type3A_78 = arith.extui %lt3A_77 : i1 to i32
      %cond3A_79 = arith.constant 0 : i32
      %cond3A_80 = arith.cmpi ne, %convert_element_type3A_78, %cond3A_79 : i32
      scf.if %cond3A_80 {
        %mul3A_381 = arith.constant 4 : i32
        %mul3A_382 = arith.muli %scan3A_16, %mul3A_381 : i32
        %add3A_383 = arith.constant 0 : i32
        %add3A_384 = arith.addi %mul3A_382, %add3A_383 : i32
        %add3A_385 = vector.broadcast %add3A_384 : i32 to vector<16xi32>
        %add3A_386 = arith.addi %broadcast_in_dim3A_6, %add3A_385 : vector<16xi32>
        %gather3A = tpu.vector_load_idx %arg16[%add3A_386] : memref<128xi32, #tpu.memory_space<vmem>>[vector<16xi32>], vector<16xi32>,
        %shift_right_logical3A = arith.constant 7 : i32
        %shift_right_logical3A_387 = vector.broadcast %shift_right_logical3A : i32 to vector<16xi32>
        %shift_right_logical3A_388 = arith.shrui %gather3A, %shift_right_logical3A_387 : vector<16xi32>
        %shift_left3A = arith.constant 7 : i32
        %shift_left3A_389 = vector.broadcast %shift_left3A : i32 to vector<16xi32>
        %shift_left3A_390 = arith.shli %shift_right_logical3A_388, %shift_left3A_389 : vector<16xi32>
        %reduce_max3A = arith.constant true
        %reduce_max3A_391 = vector.broadcast %reduce_max3A : i1 to vector<16xi1>
        %reduce_max3A_392 = arith.constant -2147483648 : i32
        %reduce_max3A_393 = vector.broadcast %reduce_max3A_392 : i32 to vector<16xi32>
        %reduce_max3A_394 = arith.xori %shift_left3A_390, %reduce_max3A_393 : vector<16xi32>
        %reduce_max3A_395 = tpu.scan <max>, %reduce_max3A_394 masked %reduce_max3A_391 : vector<16xi32>, vector<16xi1> -> vector<16xi32>
        %reduce_max3A_396 = arith.xori %reduce_max3A_395, %reduce_max3A_393 : vector<16xi32>
        %reduce_max3A_397 = vector.extract %reduce_max3A_396[15] : i32 from vector<16xi32>
        %multiple_of3A = tpu.assume_multiple %reduce_max3A_397, 128 : i32
        %dma_start3A_398 = arith.constant 0 : i32
        %dma_start3A_399 = tpu.memref_slice %arg7[%dma_start3A_398, %multiple_of3A] : memref<16x1000000xf32, #tpu.memory_space<hbm>> -> memref<16x128xf32, #tpu.memory_space<hbm>>
        %dma_start3A_400 = arith.constant 0 : i32
        %dma_start3A_401 = tpu.memref_slice %arg7[%dma_start3A_400, %multiple_of3A] : memref<16x1000000xf32, #tpu.memory_space<hbm>> -> memref<16x128xf32, #tpu.memory_space<hbm>>
        tpu.enqueue_dma source(%dma_start3A_401 : memref<16x128xf32, #tpu.memory_space<hbm>>) target(%arg26 : memref<16x128xf32, #tpu.memory_space<vmem>>) target_semaphore(%arg48 : memref<!tpu.dma_semaphore, #tpu.memory_space<semaphore_mem>>)
      } else {
      }
      %gt3A_81 = arith.constant 0 : i32
      %gt3A_82 = arith.cmpi sgt, %scan3A_16, %gt3A_81 : i32
      %sub3A_83 = arith.constant 1 : i32
      %sub3A_84 = arith.subi %scan3A_16, %sub3A_83 : i32
      %mul3A_85 = arith.constant 4 : i32
      %mul3A_86 = arith.muli %sub3A_84, %mul3A_85 : i32
      %add3A_87 = arith.constant 0 : i32
      %add3A_88 = arith.addi %mul3A_86, %add3A_87 : i32
      %lt3A_89 = arith.constant 128 : i32
      %lt3A_90 = arith.cmpi slt, %add3A_88, %lt3A_89 : i32
      %and3A_91 = arith.andi %gt3A_82, %lt3A_90 : i1
      %convert_element_type3A_92 = arith.extui %and3A_91 : i1 to i32
      %cond3A_93 = arith.constant 0 : i32
      %cond3A_94 = arith.cmpi ne, %convert_element_type3A_92, %cond3A_93 : i32
      scf.if %cond3A_94 {
        %dma_wait3A_381 = arith.constant 0 : i32
        %dma_wait3A_382 = arith.constant 0 : i32
        %dma_wait3A_383 = tpu.memref_slice %arg7[%dma_wait3A_381, %dma_wait3A_382] : memref<16x1000000xf32, #tpu.memory_space<hbm>> -> memref<16x128xf32, #tpu.memory_space<hbm>>
        %dma_wait3A_384 = arith.constant 0 : i32
        %dma_wait3A_385 = arith.constant 0 : i32
        %dma_wait3A_386 = tpu.memref_slice %arg7[%dma_wait3A_384, %dma_wait3A_385] : memref<16x1000000xf32, #tpu.memory_space<hbm>> -> memref<16x128xf32, #tpu.memory_space<hbm>>
        tpu.wait_dma2 semaphore(%arg52 : memref<!tpu.dma_semaphore, #tpu.memory_space<semaphore_mem>>) src(%dma_wait3A_386 : memref<16x128xf32, #tpu.memory_space<hbm>>) dst(%arg30 : memref<16x128xf32, #tpu.memory_space<vmem>>)
        %sub3A_387 = arith.constant 1 : i32
        %sub3A_388 = arith.subi %scan3A_16, %sub3A_387 : i32
        %mul3A_389 = arith.constant 4 : i32
        %mul3A_390 = arith.muli %sub3A_388, %mul3A_389 : i32
        %add3A_391 = arith.constant 0 : i32
        %add3A_392 = arith.addi %mul3A_390, %add3A_391 : i32
        %add3A_393 = vector.broadcast %add3A_392 : i32 to vector<16xi32>
        %add3A_394 = arith.addi %broadcast_in_dim3A_6, %add3A_393 : vector<16xi32>
        %gather3A = tpu.vector_load_idx %arg17[%add3A_394] : memref<128xi32, #tpu.memory_space<vmem>>[vector<16xi32>], vector<16xi32>,
        %and3A_395 = arith.constant 127 : i32
        %and3A_396 = vector.broadcast %and3A_395 : i32 to vector<16xi32>
        %and3A_397 = arith.andi %gather3A, %and3A_396 : vector<16xi32>
        %gather3A_398 = tpu.vector_load_idx %arg30[%iota3A, %and3A_397] : memref<16x128xf32, #tpu.memory_space<vmem>>[vector<16xi32>, vector<16xi32>], vector<16xf32>,
        %add3A_399 = vector.broadcast %add3A_392 : i32 to vector<16xi32>
        %add3A_400 = arith.addi %broadcast_in_dim3A_6, %add3A_399 : vector<16xi32>
        tpu.vector_store_idx %arg37[%iota3A, %add3A_400], %gather3A_398 : memref<16x128xf32, #tpu.memory_space<vmem>>[vector<16xi32>, vector<16xi32>], vector<16xf32>,
      } else {
      }
      %mul3A_95 = arith.constant 4 : i32
      %mul3A_96 = arith.muli %scan3A_16, %mul3A_95 : i32
      %add3A_97 = arith.constant 0 : i32
      %add3A_98 = arith.addi %mul3A_96, %add3A_97 : i32
      %lt3A_99 = arith.constant 128 : i32
      %lt3A_100 = arith.cmpi slt, %add3A_98, %lt3A_99 : i32
      %convert_element_type3A_101 = arith.extui %lt3A_100 : i1 to i32
      %cond3A_102 = arith.constant 0 : i32
      %cond3A_103 = arith.cmpi ne, %convert_element_type3A_101, %cond3A_102 : i32
      scf.if %cond3A_103 {
        %mul3A_381 = arith.constant 4 : i32
        %mul3A_382 = arith.muli %scan3A_16, %mul3A_381 : i32
        %add3A_383 = arith.constant 0 : i32
        %add3A_384 = arith.addi %mul3A_382, %add3A_383 : i32
        %add3A_385 = vector.broadcast %add3A_384 : i32 to vector<16xi32>
        %add3A_386 = arith.addi %broadcast_in_dim3A_6, %add3A_385 : vector<16xi32>
        %gather3A = tpu.vector_load_idx %arg17[%add3A_386] : memref<128xi32, #tpu.memory_space<vmem>>[vector<16xi32>], vector<16xi32>,
        %shift_right_logical3A = arith.constant 7 : i32
        %shift_right_logical3A_387 = vector.broadcast %shift_right_logical3A : i32 to vector<16xi32>
        %shift_right_logical3A_388 = arith.shrui %gather3A, %shift_right_logical3A_387 : vector<16xi32>
        %shift_left3A = arith.constant 7 : i32
        %shift_left3A_389 = vector.broadcast %shift_left3A : i32 to vector<16xi32>
        %shift_left3A_390 = arith.shli %shift_right_logical3A_388, %shift_left3A_389 : vector<16xi32>
        %reduce_max3A = arith.constant true
        %reduce_max3A_391 = vector.broadcast %reduce_max3A : i1 to vector<16xi1>
        %reduce_max3A_392 = arith.constant -2147483648 : i32
        %reduce_max3A_393 = vector.broadcast %reduce_max3A_392 : i32 to vector<16xi32>
        %reduce_max3A_394 = arith.xori %shift_left3A_390, %reduce_max3A_393 : vector<16xi32>
        %reduce_max3A_395 = tpu.scan <max>, %reduce_max3A_394 masked %reduce_max3A_391 : vector<16xi32>, vector<16xi1> -> vector<16xi32>
        %reduce_max3A_396 = arith.xori %reduce_max3A_395, %reduce_max3A_393 : vector<16xi32>
        %reduce_max3A_397 = vector.extract %reduce_max3A_396[15] : i32 from vector<16xi32>
        %multiple_of3A = tpu.assume_multiple %reduce_max3A_397, 128 : i32
        %dma_start3A_398 = arith.constant 0 : i32
        %dma_start3A_399 = tpu.memref_slice %arg7[%dma_start3A_398, %multiple_of3A] : memref<16x1000000xf32, #tpu.memory_space<hbm>> -> memref<16x128xf32, #tpu.memory_space<hbm>>
        %dma_start3A_400 = arith.constant 0 : i32
        %dma_start3A_401 = tpu.memref_slice %arg7[%dma_start3A_400, %multiple_of3A] : memref<16x1000000xf32, #tpu.memory_space<hbm>> -> memref<16x128xf32, #tpu.memory_space<hbm>>
        tpu.enqueue_dma source(%dma_start3A_401 : memref<16x128xf32, #tpu.memory_space<hbm>>) target(%arg30 : memref<16x128xf32, #tpu.memory_space<vmem>>) target_semaphore(%arg52 : memref<!tpu.dma_semaphore, #tpu.memory_space<semaphore_mem>>)
      } else {
      }
      %gt3A_104 = arith.constant 0 : i32
      %gt3A_105 = arith.cmpi sgt, %scan3A_16, %gt3A_104 : i32
      %sub3A_106 = arith.constant 1 : i32
      %sub3A_107 = arith.subi %scan3A_16, %sub3A_106 : i32
      %mul3A_108 = arith.constant 4 : i32
      %mul3A_109 = arith.muli %sub3A_107, %mul3A_108 : i32
      %add3A_110 = arith.constant 1 : i32
      %add3A_111 = arith.addi %mul3A_109, %add3A_110 : i32
      %lt3A_112 = arith.constant 128 : i32
      %lt3A_113 = arith.cmpi slt, %add3A_111, %lt3A_112 : i32
      %and3A_114 = arith.andi %gt3A_105, %lt3A_113 : i1
      %convert_element_type3A_115 = arith.extui %and3A_114 : i1 to i32
      %cond3A_116 = arith.constant 0 : i32
      %cond3A_117 = arith.cmpi ne, %convert_element_type3A_115, %cond3A_116 : i32
      scf.if %cond3A_117 {
        %dma_wait3A_381 = arith.constant 0 : i32
        %dma_wait3A_382 = arith.constant 0 : i32
        %dma_wait3A_383 = tpu.memref_slice %arg6[%dma_wait3A_381, %dma_wait3A_382] : memref<16x1000000xf32, #tpu.memory_space<hbm>> -> memref<16x128xf32, #tpu.memory_space<hbm>>
        %dma_wait3A_384 = arith.constant 0 : i32
        %dma_wait3A_385 = arith.constant 0 : i32
        %dma_wait3A_386 = tpu.memref_slice %arg6[%dma_wait3A_384, %dma_wait3A_385] : memref<16x1000000xf32, #tpu.memory_space<hbm>> -> memref<16x128xf32, #tpu.memory_space<hbm>>
        tpu.wait_dma2 semaphore(%arg41 : memref<!tpu.dma_semaphore, #tpu.memory_space<semaphore_mem>>) src(%dma_wait3A_386 : memref<16x128xf32, #tpu.memory_space<hbm>>) dst(%arg19 : memref<16x128xf32, #tpu.memory_space<vmem>>)
        %sub3A_387 = arith.constant 1 : i32
        %sub3A_388 = arith.subi %scan3A_16, %sub3A_387 : i32
        %mul3A_389 = arith.constant 4 : i32
        %mul3A_390 = arith.muli %sub3A_388, %mul3A_389 : i32
        %add3A_391 = arith.constant 1 : i32
        %add3A_392 = arith.addi %mul3A_390, %add3A_391 : i32
        %add3A_393 = vector.broadcast %add3A_392 : i32 to vector<16xi32>
        %add3A_394 = arith.addi %broadcast_in_dim3A_6, %add3A_393 : vector<16xi32>
        %gather3A = tpu.vector_load_idx %arg15[%add3A_394] : memref<128xi32, #tpu.memory_space<vmem>>[vector<16xi32>], vector<16xi32>,
        %and3A_395 = arith.constant 127 : i32
        %and3A_396 = vector.broadcast %and3A_395 : i32 to vector<16xi32>
        %and3A_397 = arith.andi %gather3A, %and3A_396 : vector<16xi32>
        %gather3A_398 = tpu.vector_load_idx %arg19[%iota3A, %and3A_397] : memref<16x128xf32, #tpu.memory_space<vmem>>[vector<16xi32>, vector<16xi32>], vector<16xf32>,
        %add3A_399 = vector.broadcast %add3A_392 : i32 to vector<16xi32>
        %add3A_400 = arith.addi %broadcast_in_dim3A_6, %add3A_399 : vector<16xi32>
        tpu.vector_store_idx %arg34[%iota3A, %add3A_400], %gather3A_398 : memref<16x128xf32, #tpu.memory_space<vmem>>[vector<16xi32>, vector<16xi32>], vector<16xf32>,
      } else {
      }
      %mul3A_118 = arith.constant 4 : i32
      %mul3A_119 = arith.muli %scan3A_16, %mul3A_118 : i32
      %add3A_120 = arith.constant 1 : i32
      %add3A_121 = arith.addi %mul3A_119, %add3A_120 : i32
      %lt3A_122 = arith.constant 128 : i32
      %lt3A_123 = arith.cmpi slt, %add3A_121, %lt3A_122 : i32
      %convert_element_type3A_124 = arith.extui %lt3A_123 : i1 to i32
      %cond3A_125 = arith.constant 0 : i32
      %cond3A_126 = arith.cmpi ne, %convert_element_type3A_124, %cond3A_125 : i32
      scf.if %cond3A_126 {
        %mul3A_381 = arith.constant 4 : i32
        %mul3A_382 = arith.muli %scan3A_16, %mul3A_381 : i32
        %add3A_383 = arith.constant 1 : i32
        %add3A_384 = arith.addi %mul3A_382, %add3A_383 : i32
        %add3A_385 = vector.broadcast %add3A_384 : i32 to vector<16xi32>
        %add3A_386 = arith.addi %broadcast_in_dim3A_6, %add3A_385 : vector<16xi32>
        %gather3A = tpu.vector_load_idx %arg15[%add3A_386] : memref<128xi32, #tpu.memory_space<vmem>>[vector<16xi32>], vector<16xi32>,
        %shift_right_logical3A = arith.constant 7 : i32
        %shift_right_logical3A_387 = vector.broadcast %shift_right_logical3A : i32 to vector<16xi32>
        %shift_right_logical3A_388 = arith.shrui %gather3A, %shift_right_logical3A_387 : vector<16xi32>
        %shift_left3A = arith.constant 7 : i32
        %shift_left3A_389 = vector.broadcast %shift_left3A : i32 to vector<16xi32>
        %shift_left3A_390 = arith.shli %shift_right_logical3A_388, %shift_left3A_389 : vector<16xi32>
        %reduce_max3A = arith.constant true
        %reduce_max3A_391 = vector.broadcast %reduce_max3A : i1 to vector<16xi1>
        %reduce_max3A_392 = arith.constant -2147483648 : i32
        %reduce_max3A_393 = vector.broadcast %reduce_max3A_392 : i32 to vector<16xi32>
        %reduce_max3A_394 = arith.xori %shift_left3A_390, %reduce_max3A_393 : vector<16xi32>
        %reduce_max3A_395 = tpu.scan <max>, %reduce_max3A_394 masked %reduce_max3A_391 : vector<16xi32>, vector<16xi1> -> vector<16xi32>
        %reduce_max3A_396 = arith.xori %reduce_max3A_395, %reduce_max3A_393 : vector<16xi32>
        %reduce_max3A_397 = vector.extract %reduce_max3A_396[15] : i32 from vector<16xi32>
        %multiple_of3A = tpu.assume_multiple %reduce_max3A_397, 128 : i32
        %dma_start3A_398 = arith.constant 0 : i32
        %dma_start3A_399 = tpu.memref_slice %arg6[%dma_start3A_398, %multiple_of3A] : memref<16x1000000xf32, #tpu.memory_space<hbm>> -> memref<16x128xf32, #tpu.memory_space<hbm>>
        %dma_start3A_400 = arith.constant 0 : i32
        %dma_start3A_401 = tpu.memref_slice %arg6[%dma_start3A_400, %multiple_of3A] : memref<16x1000000xf32, #tpu.memory_space<hbm>> -> memref<16x128xf32, #tpu.memory_space<hbm>>
        tpu.enqueue_dma source(%dma_start3A_401 : memref<16x128xf32, #tpu.memory_space<hbm>>) target(%arg19 : memref<16x128xf32, #tpu.memory_space<vmem>>) target_semaphore(%arg41 : memref<!tpu.dma_semaphore, #tpu.memory_space<semaphore_mem>>)
      } else {
      }
      %gt3A_127 = arith.constant 0 : i32
      %gt3A_128 = arith.cmpi sgt, %scan3A_16, %gt3A_127 : i32
      %sub3A_129 = arith.constant 1 : i32
      %sub3A_130 = arith.subi %scan3A_16, %sub3A_129 : i32
      %mul3A_131 = arith.constant 4 : i32
      %mul3A_132 = arith.muli %sub3A_130, %mul3A_131 : i32
      %add3A_133 = arith.constant 1 : i32
      %add3A_134 = arith.addi %mul3A_132, %add3A_133 : i32
      %lt3A_135 = arith.constant 128 : i32
      %lt3A_136 = arith.cmpi slt, %add3A_134, %lt3A_135 : i32
      %and3A_137 = arith.andi %gt3A_128, %lt3A_136 : i1
      %convert_element_type3A_138 = arith.extui %and3A_137 : i1 to i32
      %cond3A_139 = arith.constant 0 : i32
      %cond3A_140 = arith.cmpi ne, %convert_element_type3A_138, %cond3A_139 : i32
      scf.if %cond3A_140 {
        %dma_wait3A_381 = arith.constant 0 : i32
        %dma_wait3A_382 = arith.constant 0 : i32
        %dma_wait3A_383 = tpu.memref_slice %arg8[%dma_wait3A_381, %dma_wait3A_382] : memref<16x1000000xf32, #tpu.memory_space<hbm>> -> memref<16x128xf32, #tpu.memory_space<hbm>>
        %dma_wait3A_384 = arith.constant 0 : i32
        %dma_wait3A_385 = arith.constant 0 : i32
        %dma_wait3A_386 = tpu.memref_slice %arg8[%dma_wait3A_384, %dma_wait3A_385] : memref<16x1000000xf32, #tpu.memory_space<hbm>> -> memref<16x128xf32, #tpu.memory_space<hbm>>
        tpu.wait_dma2 semaphore(%arg45 : memref<!tpu.dma_semaphore, #tpu.memory_space<semaphore_mem>>) src(%dma_wait3A_386 : memref<16x128xf32, #tpu.memory_space<hbm>>) dst(%arg23 : memref<16x128xf32, #tpu.memory_space<vmem>>)
        %sub3A_387 = arith.constant 1 : i32
        %sub3A_388 = arith.subi %scan3A_16, %sub3A_387 : i32
        %mul3A_389 = arith.constant 4 : i32
        %mul3A_390 = arith.muli %sub3A_388, %mul3A_389 : i32
        %add3A_391 = arith.constant 1 : i32
        %add3A_392 = arith.addi %mul3A_390, %add3A_391 : i32
        %add3A_393 = vector.broadcast %add3A_392 : i32 to vector<16xi32>
        %add3A_394 = arith.addi %broadcast_in_dim3A_6, %add3A_393 : vector<16xi32>
        %gather3A = tpu.vector_load_idx %arg15[%add3A_394] : memref<128xi32, #tpu.memory_space<vmem>>[vector<16xi32>], vector<16xi32>,
        %and3A_395 = arith.constant 127 : i32
        %and3A_396 = vector.broadcast %and3A_395 : i32 to vector<16xi32>
        %and3A_397 = arith.andi %gather3A, %and3A_396 : vector<16xi32>
        %gather3A_398 = tpu.vector_load_idx %arg23[%iota3A, %and3A_397] : memref<16x128xf32, #tpu.memory_space<vmem>>[vector<16xi32>, vector<16xi32>], vector<16xf32>,
        %add3A_399 = vector.broadcast %add3A_392 : i32 to vector<16xi32>
        %add3A_400 = arith.addi %broadcast_in_dim3A_6, %add3A_399 : vector<16xi32>
        tpu.vector_store_idx %arg35[%iota3A, %add3A_400], %gather3A_398 : memref<16x128xf32, #tpu.memory_space<vmem>>[vector<16xi32>, vector<16xi32>], vector<16xf32>,
      } else {
      }
      %mul3A_141 = arith.constant 4 : i32
      %mul3A_142 = arith.muli %scan3A_16, %mul3A_141 : i32
      %add3A_143 = arith.constant 1 : i32
      %add3A_144 = arith.addi %mul3A_142, %add3A_143 : i32
      %lt3A_145 = arith.constant 128 : i32
      %lt3A_146 = arith.cmpi slt, %add3A_144, %lt3A_145 : i32
      %convert_element_type3A_147 = arith.extui %lt3A_146 : i1 to i32
      %cond3A_148 = arith.constant 0 : i32
      %cond3A_149 = arith.cmpi ne, %convert_element_type3A_147, %cond3A_148 : i32
      scf.if %cond3A_149 {
        %mul3A_381 = arith.constant 4 : i32
        %mul3A_382 = arith.muli %scan3A_16, %mul3A_381 : i32
        %add3A_383 = arith.constant 1 : i32
        %add3A_384 = arith.addi %mul3A_382, %add3A_383 : i32
        %add3A_385 = vector.broadcast %add3A_384 : i32 to vector<16xi32>
        %add3A_386 = arith.addi %broadcast_in_dim3A_6, %add3A_385 : vector<16xi32>
        %gather3A = tpu.vector_load_idx %arg15[%add3A_386] : memref<128xi32, #tpu.memory_space<vmem>>[vector<16xi32>], vector<16xi32>,
        %shift_right_logical3A = arith.constant 7 : i32
        %shift_right_logical3A_387 = vector.broadcast %shift_right_logical3A : i32 to vector<16xi32>
        %shift_right_logical3A_388 = arith.shrui %gather3A, %shift_right_logical3A_387 : vector<16xi32>
        %shift_left3A = arith.constant 7 : i32
        %shift_left3A_389 = vector.broadcast %shift_left3A : i32 to vector<16xi32>
        %shift_left3A_390 = arith.shli %shift_right_logical3A_388, %shift_left3A_389 : vector<16xi32>
        %reduce_max3A = arith.constant true
        %reduce_max3A_391 = vector.broadcast %reduce_max3A : i1 to vector<16xi1>
        %reduce_max3A_392 = arith.constant -2147483648 : i32
        %reduce_max3A_393 = vector.broadcast %reduce_max3A_392 : i32 to vector<16xi32>
        %reduce_max3A_394 = arith.xori %shift_left3A_390, %reduce_max3A_393 : vector<16xi32>
        %reduce_max3A_395 = tpu.scan <max>, %reduce_max3A_394 masked %reduce_max3A_391 : vector<16xi32>, vector<16xi1> -> vector<16xi32>
        %reduce_max3A_396 = arith.xori %reduce_max3A_395, %reduce_max3A_393 : vector<16xi32>
        %reduce_max3A_397 = vector.extract %reduce_max3A_396[15] : i32 from vector<16xi32>
        %multiple_of3A = tpu.assume_multiple %reduce_max3A_397, 128 : i32
        %dma_start3A_398 = arith.constant 0 : i32
        %dma_start3A_399 = tpu.memref_slice %arg8[%dma_start3A_398, %multiple_of3A] : memref<16x1000000xf32, #tpu.memory_space<hbm>> -> memref<16x128xf32, #tpu.memory_space<hbm>>
        %dma_start3A_400 = arith.constant 0 : i32
        %dma_start3A_401 = tpu.memref_slice %arg8[%dma_start3A_400, %multiple_of3A] : memref<16x1000000xf32, #tpu.memory_space<hbm>> -> memref<16x128xf32, #tpu.memory_space<hbm>>
        tpu.enqueue_dma source(%dma_start3A_401 : memref<16x128xf32, #tpu.memory_space<hbm>>) target(%arg23 : memref<16x128xf32, #tpu.memory_space<vmem>>) target_semaphore(%arg45 : memref<!tpu.dma_semaphore, #tpu.memory_space<semaphore_mem>>)
      } else {
      }
      %gt3A_150 = arith.constant 0 : i32
      %gt3A_151 = arith.cmpi sgt, %scan3A_16, %gt3A_150 : i32
      %sub3A_152 = arith.constant 1 : i32
      %sub3A_153 = arith.subi %scan3A_16, %sub3A_152 : i32
      %mul3A_154 = arith.constant 4 : i32
      %mul3A_155 = arith.muli %sub3A_153, %mul3A_154 : i32
      %add3A_156 = arith.constant 1 : i32
      %add3A_157 = arith.addi %mul3A_155, %add3A_156 : i32
      %lt3A_158 = arith.constant 128 : i32
      %lt3A_159 = arith.cmpi slt, %add3A_157, %lt3A_158 : i32
      %and3A_160 = arith.andi %gt3A_151, %lt3A_159 : i1
      %convert_element_type3A_161 = arith.extui %and3A_160 : i1 to i32
      %cond3A_162 = arith.constant 0 : i32
      %cond3A_163 = arith.cmpi ne, %convert_element_type3A_161, %cond3A_162 : i32
      scf.if %cond3A_163 {
        %dma_wait3A_381 = arith.constant 0 : i32
        %dma_wait3A_382 = arith.constant 0 : i32
        %dma_wait3A_383 = tpu.memref_slice %arg7[%dma_wait3A_381, %dma_wait3A_382] : memref<16x1000000xf32, #tpu.memory_space<hbm>> -> memref<16x128xf32, #tpu.memory_space<hbm>>
        %dma_wait3A_384 = arith.constant 0 : i32
        %dma_wait3A_385 = arith.constant 0 : i32
        %dma_wait3A_386 = tpu.memref_slice %arg7[%dma_wait3A_384, %dma_wait3A_385] : memref<16x1000000xf32, #tpu.memory_space<hbm>> -> memref<16x128xf32, #tpu.memory_space<hbm>>
        tpu.wait_dma2 semaphore(%arg49 : memref<!tpu.dma_semaphore, #tpu.memory_space<semaphore_mem>>) src(%dma_wait3A_386 : memref<16x128xf32, #tpu.memory_space<hbm>>) dst(%arg27 : memref<16x128xf32, #tpu.memory_space<vmem>>)
        %sub3A_387 = arith.constant 1 : i32
        %sub3A_388 = arith.subi %scan3A_16, %sub3A_387 : i32
        %mul3A_389 = arith.constant 4 : i32
        %mul3A_390 = arith.muli %sub3A_388, %mul3A_389 : i32
        %add3A_391 = arith.constant 1 : i32
        %add3A_392 = arith.addi %mul3A_390, %add3A_391 : i32
        %add3A_393 = vector.broadcast %add3A_392 : i32 to vector<16xi32>
        %add3A_394 = arith.addi %broadcast_in_dim3A_6, %add3A_393 : vector<16xi32>
        %gather3A = tpu.vector_load_idx %arg16[%add3A_394] : memref<128xi32, #tpu.memory_space<vmem>>[vector<16xi32>], vector<16xi32>,
        %and3A_395 = arith.constant 127 : i32
        %and3A_396 = vector.broadcast %and3A_395 : i32 to vector<16xi32>
        %and3A_397 = arith.andi %gather3A, %and3A_396 : vector<16xi32>
        %gather3A_398 = tpu.vector_load_idx %arg27[%iota3A, %and3A_397] : memref<16x128xf32, #tpu.memory_space<vmem>>[vector<16xi32>, vector<16xi32>], vector<16xf32>,
        %add3A_399 = vector.broadcast %add3A_392 : i32 to vector<16xi32>
        %add3A_400 = arith.addi %broadcast_in_dim3A_6, %add3A_399 : vector<16xi32>
        tpu.vector_store_idx %arg36[%iota3A, %add3A_400], %gather3A_398 : memref<16x128xf32, #tpu.memory_space<vmem>>[vector<16xi32>, vector<16xi32>], vector<16xf32>,
      } else {
      }
      %mul3A_164 = arith.constant 4 : i32
      %mul3A_165 = arith.muli %scan3A_16, %mul3A_164 : i32
      %add3A_166 = arith.constant 1 : i32
      %add3A_167 = arith.addi %mul3A_165, %add3A_166 : i32
      %lt3A_168 = arith.constant 128 : i32
      %lt3A_169 = arith.cmpi slt, %add3A_167, %lt3A_168 : i32
      %convert_element_type3A_170 = arith.extui %lt3A_169 : i1 to i32
      %cond3A_171 = arith.constant 0 : i32
      %cond3A_172 = arith.cmpi ne, %convert_element_type3A_170, %cond3A_171 : i32
      scf.if %cond3A_172 {
        %mul3A_381 = arith.constant 4 : i32
        %mul3A_382 = arith.muli %scan3A_16, %mul3A_381 : i32
        %add3A_383 = arith.constant 1 : i32
        %add3A_384 = arith.addi %mul3A_382, %add3A_383 : i32
        %add3A_385 = vector.broadcast %add3A_384 : i32 to vector<16xi32>
        %add3A_386 = arith.addi %broadcast_in_dim3A_6, %add3A_385 : vector<16xi32>
        %gather3A = tpu.vector_load_idx %arg16[%add3A_386] : memref<128xi32, #tpu.memory_space<vmem>>[vector<16xi32>], vector<16xi32>,
        %shift_right_logical3A = arith.constant 7 : i32
        %shift_right_logical3A_387 = vector.broadcast %shift_right_logical3A : i32 to vector<16xi32>
        %shift_right_logical3A_388 = arith.shrui %gather3A, %shift_right_logical3A_387 : vector<16xi32>
        %shift_left3A = arith.constant 7 : i32
        %shift_left3A_389 = vector.broadcast %shift_left3A : i32 to vector<16xi32>
        %shift_left3A_390 = arith.shli %shift_right_logical3A_388, %shift_left3A_389 : vector<16xi32>
        %reduce_max3A = arith.constant true
        %reduce_max3A_391 = vector.broadcast %reduce_max3A : i1 to vector<16xi1>
        %reduce_max3A_392 = arith.constant -2147483648 : i32
        %reduce_max3A_393 = vector.broadcast %reduce_max3A_392 : i32 to vector<16xi32>
        %reduce_max3A_394 = arith.xori %shift_left3A_390, %reduce_max3A_393 : vector<16xi32>
        %reduce_max3A_395 = tpu.scan <max>, %reduce_max3A_394 masked %reduce_max3A_391 : vector<16xi32>, vector<16xi1> -> vector<16xi32>
        %reduce_max3A_396 = arith.xori %reduce_max3A_395, %reduce_max3A_393 : vector<16xi32>
        %reduce_max3A_397 = vector.extract %reduce_max3A_396[15] : i32 from vector<16xi32>
        %multiple_of3A = tpu.assume_multiple %reduce_max3A_397, 128 : i32
        %dma_start3A_398 = arith.constant 0 : i32
        %dma_start3A_399 = tpu.memref_slice %arg7[%dma_start3A_398, %multiple_of3A] : memref<16x1000000xf32, #tpu.memory_space<hbm>> -> memref<16x128xf32, #tpu.memory_space<hbm>>
        %dma_start3A_400 = arith.constant 0 : i32
        %dma_start3A_401 = tpu.memref_slice %arg7[%dma_start3A_400, %multiple_of3A] : memref<16x1000000xf32, #tpu.memory_space<hbm>> -> memref<16x128xf32, #tpu.memory_space<hbm>>
        tpu.enqueue_dma source(%dma_start3A_401 : memref<16x128xf32, #tpu.memory_space<hbm>>) target(%arg27 : memref<16x128xf32, #tpu.memory_space<vmem>>) target_semaphore(%arg49 : memref<!tpu.dma_semaphore, #tpu.memory_space<semaphore_mem>>)
      } else {
      }
      %gt3A_173 = arith.constant 0 : i32
      %gt3A_174 = arith.cmpi sgt, %scan3A_16, %gt3A_173 : i32
      %sub3A_175 = arith.constant 1 : i32
      %sub3A_176 = arith.subi %scan3A_16, %sub3A_175 : i32
      %mul3A_177 = arith.constant 4 : i32
      %mul3A_178 = arith.muli %sub3A_176, %mul3A_177 : i32
      %add3A_179 = arith.constant 1 : i32
      %add3A_180 = arith.addi %mul3A_178, %add3A_179 : i32
      %lt3A_181 = arith.constant 128 : i32
      %lt3A_182 = arith.cmpi slt, %add3A_180, %lt3A_181 : i32
      %and3A_183 = arith.andi %gt3A_174, %lt3A_182 : i1
      %convert_element_type3A_184 = arith.extui %and3A_183 : i1 to i32
      %cond3A_185 = arith.constant 0 : i32
      %cond3A_186 = arith.cmpi ne, %convert_element_type3A_184, %cond3A_185 : i32
      scf.if %cond3A_186 {
        %dma_wait3A_381 = arith.constant 0 : i32
        %dma_wait3A_382 = arith.constant 0 : i32
        %dma_wait3A_383 = tpu.memref_slice %arg7[%dma_wait3A_381, %dma_wait3A_382] : memref<16x1000000xf32, #tpu.memory_space<hbm>> -> memref<16x128xf32, #tpu.memory_space<hbm>>
        %dma_wait3A_384 = arith.constant 0 : i32
        %dma_wait3A_385 = arith.constant 0 : i32
        %dma_wait3A_386 = tpu.memref_slice %arg7[%dma_wait3A_384, %dma_wait3A_385] : memref<16x1000000xf32, #tpu.memory_space<hbm>> -> memref<16x128xf32, #tpu.memory_space<hbm>>
        tpu.wait_dma2 semaphore(%arg53 : memref<!tpu.dma_semaphore, #tpu.memory_space<semaphore_mem>>) src(%dma_wait3A_386 : memref<16x128xf32, #tpu.memory_space<hbm>>) dst(%arg31 : memref<16x128xf32, #tpu.memory_space<vmem>>)
        %sub3A_387 = arith.constant 1 : i32
        %sub3A_388 = arith.subi %scan3A_16, %sub3A_387 : i32
        %mul3A_389 = arith.constant 4 : i32
        %mul3A_390 = arith.muli %sub3A_388, %mul3A_389 : i32
        %add3A_391 = arith.constant 1 : i32
        %add3A_392 = arith.addi %mul3A_390, %add3A_391 : i32
        %add3A_393 = vector.broadcast %add3A_392 : i32 to vector<16xi32>
        %add3A_394 = arith.addi %broadcast_in_dim3A_6, %add3A_393 : vector<16xi32>
        %gather3A = tpu.vector_load_idx %arg17[%add3A_394] : memref<128xi32, #tpu.memory_space<vmem>>[vector<16xi32>], vector<16xi32>,
        %and3A_395 = arith.constant 127 : i32
        %and3A_396 = vector.broadcast %and3A_395 : i32 to vector<16xi32>
        %and3A_397 = arith.andi %gather3A, %and3A_396 : vector<16xi32>
        %gather3A_398 = tpu.vector_load_idx %arg31[%iota3A, %and3A_397] : memref<16x128xf32, #tpu.memory_space<vmem>>[vector<16xi32>, vector<16xi32>], vector<16xf32>,
        %add3A_399 = vector.broadcast %add3A_392 : i32 to vector<16xi32>
        %add3A_400 = arith.addi %broadcast_in_dim3A_6, %add3A_399 : vector<16xi32>
        tpu.vector_store_idx %arg37[%iota3A, %add3A_400], %gather3A_398 : memref<16x128xf32, #tpu.memory_space<vmem>>[vector<16xi32>, vector<16xi32>], vector<16xf32>,
      } else {
      }
      %mul3A_187 = arith.constant 4 : i32
      %mul3A_188 = arith.muli %scan3A_16, %mul3A_187 : i32
      %add3A_189 = arith.constant 1 : i32
      %add3A_190 = arith.addi %mul3A_188, %add3A_189 : i32
      %lt3A_191 = arith.constant 128 : i32
      %lt3A_192 = arith.cmpi slt, %add3A_190, %lt3A_191 : i32
      %convert_element_type3A_193 = arith.extui %lt3A_192 : i1 to i32
      %cond3A_194 = arith.constant 0 : i32
      %cond3A_195 = arith.cmpi ne, %convert_element_type3A_193, %cond3A_194 : i32
      scf.if %cond3A_195 {
        %mul3A_381 = arith.constant 4 : i32
        %mul3A_382 = arith.muli %scan3A_16, %mul3A_381 : i32
        %add3A_383 = arith.constant 1 : i32
        %add3A_384 = arith.addi %mul3A_382, %add3A_383 : i32
        %add3A_385 = vector.broadcast %add3A_384 : i32 to vector<16xi32>
        %add3A_386 = arith.addi %broadcast_in_dim3A_6, %add3A_385 : vector<16xi32>
        %gather3A = tpu.vector_load_idx %arg17[%add3A_386] : memref<128xi32, #tpu.memory_space<vmem>>[vector<16xi32>], vector<16xi32>,
        %shift_right_logical3A = arith.constant 7 : i32
        %shift_right_logical3A_387 = vector.broadcast %shift_right_logical3A : i32 to vector<16xi32>
        %shift_right_logical3A_388 = arith.shrui %gather3A, %shift_right_logical3A_387 : vector<16xi32>
        %shift_left3A = arith.constant 7 : i32
        %shift_left3A_389 = vector.broadcast %shift_left3A : i32 to vector<16xi32>
        %shift_left3A_390 = arith.shli %shift_right_logical3A_388, %shift_left3A_389 : vector<16xi32>
        %reduce_max3A = arith.constant true
        %reduce_max3A_391 = vector.broadcast %reduce_max3A : i1 to vector<16xi1>
        %reduce_max3A_392 = arith.constant -2147483648 : i32
        %reduce_max3A_393 = vector.broadcast %reduce_max3A_392 : i32 to vector<16xi32>
        %reduce_max3A_394 = arith.xori %shift_left3A_390, %reduce_max3A_393 : vector<16xi32>
        %reduce_max3A_395 = tpu.scan <max>, %reduce_max3A_394 masked %reduce_max3A_391 : vector<16xi32>, vector<16xi1> -> vector<16xi32>
        %reduce_max3A_396 = arith.xori %reduce_max3A_395, %reduce_max3A_393 : vector<16xi32>
        %reduce_max3A_397 = vector.extract %reduce_max3A_396[15] : i32 from vector<16xi32>
        %multiple_of3A = tpu.assume_multiple %reduce_max3A_397, 128 : i32
        %dma_start3A_398 = arith.constant 0 : i32
        %dma_start3A_399 = tpu.memref_slice %arg7[%dma_start3A_398, %multiple_of3A] : memref<16x1000000xf32, #tpu.memory_space<hbm>> -> memref<16x128xf32, #tpu.memory_space<hbm>>
        %dma_start3A_400 = arith.constant 0 : i32
        %dma_start3A_401 = tpu.memref_slice %arg7[%dma_start3A_400, %multiple_of3A] : memref<16x1000000xf32, #tpu.memory_space<hbm>> -> memref<16x128xf32, #tpu.memory_space<hbm>>
        tpu.enqueue_dma source(%dma_start3A_401 : memref<16x128xf32, #tpu.memory_space<hbm>>) target(%arg31 : memref<16x128xf32, #tpu.memory_space<vmem>>) target_semaphore(%arg53 : memref<!tpu.dma_semaphore, #tpu.memory_space<semaphore_mem>>)
      } else {
      }
      %gt3A_196 = arith.constant 0 : i32
      %gt3A_197 = arith.cmpi sgt, %scan3A_16, %gt3A_196 : i32
      %sub3A_198 = arith.constant 1 : i32
      %sub3A_199 = arith.subi %scan3A_16, %sub3A_198 : i32
      %mul3A_200 = arith.constant 4 : i32
      %mul3A_201 = arith.muli %sub3A_199, %mul3A_200 : i32
      %add3A_202 = arith.constant 2 : i32
      %add3A_203 = arith.addi %mul3A_201, %add3A_202 : i32
      %lt3A_204 = arith.constant 128 : i32
      %lt3A_205 = arith.cmpi slt, %add3A_203, %lt3A_204 : i32
      %and3A_206 = arith.andi %gt3A_197, %lt3A_205 : i1
      %convert_element_type3A_207 = arith.extui %and3A_206 : i1 to i32
      %cond3A_208 = arith.constant 0 : i32
      %cond3A_209 = arith.cmpi ne, %convert_element_type3A_207, %cond3A_208 : i32
      scf.if %cond3A_209 {
        %dma_wait3A_381 = arith.constant 0 : i32
        %dma_wait3A_382 = arith.constant 0 : i32
        %dma_wait3A_383 = tpu.memref_slice %arg6[%dma_wait3A_381, %dma_wait3A_382] : memref<16x1000000xf32, #tpu.memory_space<hbm>> -> memref<16x128xf32, #tpu.memory_space<hbm>>
        %dma_wait3A_384 = arith.constant 0 : i32
        %dma_wait3A_385 = arith.constant 0 : i32
        %dma_wait3A_386 = tpu.memref_slice %arg6[%dma_wait3A_384, %dma_wait3A_385] : memref<16x1000000xf32, #tpu.memory_space<hbm>> -> memref<16x128xf32, #tpu.memory_space<hbm>>
        tpu.wait_dma2 semaphore(%arg42 : memref<!tpu.dma_semaphore, #tpu.memory_space<semaphore_mem>>) src(%dma_wait3A_386 : memref<16x128xf32, #tpu.memory_space<hbm>>) dst(%arg20 : memref<16x128xf32, #tpu.memory_space<vmem>>)
        %sub3A_387 = arith.constant 1 : i32
        %sub3A_388 = arith.subi %scan3A_16, %sub3A_387 : i32
        %mul3A_389 = arith.constant 4 : i32
        %mul3A_390 = arith.muli %sub3A_388, %mul3A_389 : i32
        %add3A_391 = arith.constant 2 : i32
        %add3A_392 = arith.addi %mul3A_390, %add3A_391 : i32
        %add3A_393 = vector.broadcast %add3A_392 : i32 to vector<16xi32>
        %add3A_394 = arith.addi %broadcast_in_dim3A_6, %add3A_393 : vector<16xi32>
        %gather3A = tpu.vector_load_idx %arg15[%add3A_394] : memref<128xi32, #tpu.memory_space<vmem>>[vector<16xi32>], vector<16xi32>,
        %and3A_395 = arith.constant 127 : i32
        %and3A_396 = vector.broadcast %and3A_395 : i32 to vector<16xi32>
        %and3A_397 = arith.andi %gather3A, %and3A_396 : vector<16xi32>
        %gather3A_398 = tpu.vector_load_idx %arg20[%iota3A, %and3A_397] : memref<16x128xf32, #tpu.memory_space<vmem>>[vector<16xi32>, vector<16xi32>], vector<16xf32>,
        %add3A_399 = vector.broadcast %add3A_392 : i32 to vector<16xi32>
        %add3A_400 = arith.addi %broadcast_in_dim3A_6, %add3A_399 : vector<16xi32>
        tpu.vector_store_idx %arg34[%iota3A, %add3A_400], %gather3A_398 : memref<16x128xf32, #tpu.memory_space<vmem>>[vector<16xi32>, vector<16xi32>], vector<16xf32>,
      } else {
      }
      %mul3A_210 = arith.constant 4 : i32
      %mul3A_211 = arith.muli %scan3A_16, %mul3A_210 : i32
      %add3A_212 = arith.constant 2 : i32
      %add3A_213 = arith.addi %mul3A_211, %add3A_212 : i32
      %lt3A_214 = arith.constant 128 : i32
      %lt3A_215 = arith.cmpi slt, %add3A_213, %lt3A_214 : i32
      %convert_element_type3A_216 = arith.extui %lt3A_215 : i1 to i32
      %cond3A_217 = arith.constant 0 : i32
      %cond3A_218 = arith.cmpi ne, %convert_element_type3A_216, %cond3A_217 : i32
      scf.if %cond3A_218 {
        %mul3A_381 = arith.constant 4 : i32
        %mul3A_382 = arith.muli %scan3A_16, %mul3A_381 : i32
        %add3A_383 = arith.constant 2 : i32
        %add3A_384 = arith.addi %mul3A_382, %add3A_383 : i32
        %add3A_385 = vector.broadcast %add3A_384 : i32 to vector<16xi32>
        %add3A_386 = arith.addi %broadcast_in_dim3A_6, %add3A_385 : vector<16xi32>
        %gather3A = tpu.vector_load_idx %arg15[%add3A_386] : memref<128xi32, #tpu.memory_space<vmem>>[vector<16xi32>], vector<16xi32>,
        %shift_right_logical3A = arith.constant 7 : i32
        %shift_right_logical3A_387 = vector.broadcast %shift_right_logical3A : i32 to vector<16xi32>
        %shift_right_logical3A_388 = arith.shrui %gather3A, %shift_right_logical3A_387 : vector<16xi32>
        %shift_left3A = arith.constant 7 : i32
        %shift_left3A_389 = vector.broadcast %shift_left3A : i32 to vector<16xi32>
        %shift_left3A_390 = arith.shli %shift_right_logical3A_388, %shift_left3A_389 : vector<16xi32>
        %reduce_max3A = arith.constant true
        %reduce_max3A_391 = vector.broadcast %reduce_max3A : i1 to vector<16xi1>
        %reduce_max3A_392 = arith.constant -2147483648 : i32
        %reduce_max3A_393 = vector.broadcast %reduce_max3A_392 : i32 to vector<16xi32>
        %reduce_max3A_394 = arith.xori %shift_left3A_390, %reduce_max3A_393 : vector<16xi32>
        %reduce_max3A_395 = tpu.scan <max>, %reduce_max3A_394 masked %reduce_max3A_391 : vector<16xi32>, vector<16xi1> -> vector<16xi32>
        %reduce_max3A_396 = arith.xori %reduce_max3A_395, %reduce_max3A_393 : vector<16xi32>
        %reduce_max3A_397 = vector.extract %reduce_max3A_396[15] : i32 from vector<16xi32>
        %multiple_of3A = tpu.assume_multiple %reduce_max3A_397, 128 : i32
        %dma_start3A_398 = arith.constant 0 : i32
        %dma_start3A_399 = tpu.memref_slice %arg6[%dma_start3A_398, %multiple_of3A] : memref<16x1000000xf32, #tpu.memory_space<hbm>> -> memref<16x128xf32, #tpu.memory_space<hbm>>
        %dma_start3A_400 = arith.constant 0 : i32
        %dma_start3A_401 = tpu.memref_slice %arg6[%dma_start3A_400, %multiple_of3A] : memref<16x1000000xf32, #tpu.memory_space<hbm>> -> memref<16x128xf32, #tpu.memory_space<hbm>>
        tpu.enqueue_dma source(%dma_start3A_401 : memref<16x128xf32, #tpu.memory_space<hbm>>) target(%arg20 : memref<16x128xf32, #tpu.memory_space<vmem>>) target_semaphore(%arg42 : memref<!tpu.dma_semaphore, #tpu.memory_space<semaphore_mem>>)
      } else {
      }
      %gt3A_219 = arith.constant 0 : i32
      %gt3A_220 = arith.cmpi sgt, %scan3A_16, %gt3A_219 : i32
      %sub3A_221 = arith.constant 1 : i32
      %sub3A_222 = arith.subi %scan3A_16, %sub3A_221 : i32
      %mul3A_223 = arith.constant 4 : i32
      %mul3A_224 = arith.muli %sub3A_222, %mul3A_223 : i32
      %add3A_225 = arith.constant 2 : i32
      %add3A_226 = arith.addi %mul3A_224, %add3A_225 : i32
      %lt3A_227 = arith.constant 128 : i32
      %lt3A_228 = arith.cmpi slt, %add3A_226, %lt3A_227 : i32
      %and3A_229 = arith.andi %gt3A_220, %lt3A_228 : i1
      %convert_element_type3A_230 = arith.extui %and3A_229 : i1 to i32
      %cond3A_231 = arith.constant 0 : i32
      %cond3A_232 = arith.cmpi ne, %convert_element_type3A_230, %cond3A_231 : i32
      scf.if %cond3A_232 {
        %dma_wait3A_381 = arith.constant 0 : i32
        %dma_wait3A_382 = arith.constant 0 : i32
        %dma_wait3A_383 = tpu.memref_slice %arg8[%dma_wait3A_381, %dma_wait3A_382] : memref<16x1000000xf32, #tpu.memory_space<hbm>> -> memref<16x128xf32, #tpu.memory_space<hbm>>
        %dma_wait3A_384 = arith.constant 0 : i32
        %dma_wait3A_385 = arith.constant 0 : i32
        %dma_wait3A_386 = tpu.memref_slice %arg8[%dma_wait3A_384, %dma_wait3A_385] : memref<16x1000000xf32, #tpu.memory_space<hbm>> -> memref<16x128xf32, #tpu.memory_space<hbm>>
        tpu.wait_dma2 semaphore(%arg46 : memref<!tpu.dma_semaphore, #tpu.memory_space<semaphore_mem>>) src(%dma_wait3A_386 : memref<16x128xf32, #tpu.memory_space<hbm>>) dst(%arg24 : memref<16x128xf32, #tpu.memory_space<vmem>>)
        %sub3A_387 = arith.constant 1 : i32
        %sub3A_388 = arith.subi %scan3A_16, %sub3A_387 : i32
        %mul3A_389 = arith.constant 4 : i32
        %mul3A_390 = arith.muli %sub3A_388, %mul3A_389 : i32
        %add3A_391 = arith.constant 2 : i32
        %add3A_392 = arith.addi %mul3A_390, %add3A_391 : i32
        %add3A_393 = vector.broadcast %add3A_392 : i32 to vector<16xi32>
        %add3A_394 = arith.addi %broadcast_in_dim3A_6, %add3A_393 : vector<16xi32>
        %gather3A = tpu.vector_load_idx %arg15[%add3A_394] : memref<128xi32, #tpu.memory_space<vmem>>[vector<16xi32>], vector<16xi32>,
        %and3A_395 = arith.constant 127 : i32
        %and3A_396 = vector.broadcast %and3A_395 : i32 to vector<16xi32>
        %and3A_397 = arith.andi %gather3A, %and3A_396 : vector<16xi32>
        %gather3A_398 = tpu.vector_load_idx %arg24[%iota3A, %and3A_397] : memref<16x128xf32, #tpu.memory_space<vmem>>[vector<16xi32>, vector<16xi32>], vector<16xf32>,
        %add3A_399 = vector.broadcast %add3A_392 : i32 to vector<16xi32>
        %add3A_400 = arith.addi %broadcast_in_dim3A_6, %add3A_399 : vector<16xi32>
        tpu.vector_store_idx %arg35[%iota3A, %add3A_400], %gather3A_398 : memref<16x128xf32, #tpu.memory_space<vmem>>[vector<16xi32>, vector<16xi32>], vector<16xf32>,
      } else {
      }
      %mul3A_233 = arith.constant 4 : i32
      %mul3A_234 = arith.muli %scan3A_16, %mul3A_233 : i32
      %add3A_235 = arith.constant 2 : i32
      %add3A_236 = arith.addi %mul3A_234, %add3A_235 : i32
      %lt3A_237 = arith.constant 128 : i32
      %lt3A_238 = arith.cmpi slt, %add3A_236, %lt3A_237 : i32
      %convert_element_type3A_239 = arith.extui %lt3A_238 : i1 to i32
      %cond3A_240 = arith.constant 0 : i32
      %cond3A_241 = arith.cmpi ne, %convert_element_type3A_239, %cond3A_240 : i32
      scf.if %cond3A_241 {
        %mul3A_381 = arith.constant 4 : i32
        %mul3A_382 = arith.muli %scan3A_16, %mul3A_381 : i32
        %add3A_383 = arith.constant 2 : i32
        %add3A_384 = arith.addi %mul3A_382, %add3A_383 : i32
        %add3A_385 = vector.broadcast %add3A_384 : i32 to vector<16xi32>
        %add3A_386 = arith.addi %broadcast_in_dim3A_6, %add3A_385 : vector<16xi32>
        %gather3A = tpu.vector_load_idx %arg15[%add3A_386] : memref<128xi32, #tpu.memory_space<vmem>>[vector<16xi32>], vector<16xi32>,
        %shift_right_logical3A = arith.constant 7 : i32
        %shift_right_logical3A_387 = vector.broadcast %shift_right_logical3A : i32 to vector<16xi32>
        %shift_right_logical3A_388 = arith.shrui %gather3A, %shift_right_logical3A_387 : vector<16xi32>
        %shift_left3A = arith.constant 7 : i32
        %shift_left3A_389 = vector.broadcast %shift_left3A : i32 to vector<16xi32>
        %shift_left3A_390 = arith.shli %shift_right_logical3A_388, %shift_left3A_389 : vector<16xi32>
        %reduce_max3A = arith.constant true
        %reduce_max3A_391 = vector.broadcast %reduce_max3A : i1 to vector<16xi1>
        %reduce_max3A_392 = arith.constant -2147483648 : i32
        %reduce_max3A_393 = vector.broadcast %reduce_max3A_392 : i32 to vector<16xi32>
        %reduce_max3A_394 = arith.xori %shift_left3A_390, %reduce_max3A_393 : vector<16xi32>
        %reduce_max3A_395 = tpu.scan <max>, %reduce_max3A_394 masked %reduce_max3A_391 : vector<16xi32>, vector<16xi1> -> vector<16xi32>
        %reduce_max3A_396 = arith.xori %reduce_max3A_395, %reduce_max3A_393 : vector<16xi32>
        %reduce_max3A_397 = vector.extract %reduce_max3A_396[15] : i32 from vector<16xi32>
        %multiple_of3A = tpu.assume_multiple %reduce_max3A_397, 128 : i32
        %dma_start3A_398 = arith.constant 0 : i32
        %dma_start3A_399 = tpu.memref_slice %arg8[%dma_start3A_398, %multiple_of3A] : memref<16x1000000xf32, #tpu.memory_space<hbm>> -> memref<16x128xf32, #tpu.memory_space<hbm>>
        %dma_start3A_400 = arith.constant 0 : i32
        %dma_start3A_401 = tpu.memref_slice %arg8[%dma_start3A_400, %multiple_of3A] : memref<16x1000000xf32, #tpu.memory_space<hbm>> -> memref<16x128xf32, #tpu.memory_space<hbm>>
        tpu.enqueue_dma source(%dma_start3A_401 : memref<16x128xf32, #tpu.memory_space<hbm>>) target(%arg24 : memref<16x128xf32, #tpu.memory_space<vmem>>) target_semaphore(%arg46 : memref<!tpu.dma_semaphore, #tpu.memory_space<semaphore_mem>>)
      } else {
      }
      %gt3A_242 = arith.constant 0 : i32
      %gt3A_243 = arith.cmpi sgt, %scan3A_16, %gt3A_242 : i32
      %sub3A_244 = arith.constant 1 : i32
      %sub3A_245 = arith.subi %scan3A_16, %sub3A_244 : i32
      %mul3A_246 = arith.constant 4 : i32
      %mul3A_247 = arith.muli %sub3A_245, %mul3A_246 : i32
      %add3A_248 = arith.constant 2 : i32
      %add3A_249 = arith.addi %mul3A_247, %add3A_248 : i32
      %lt3A_250 = arith.constant 128 : i32
      %lt3A_251 = arith.cmpi slt, %add3A_249, %lt3A_250 : i32
      %and3A_252 = arith.andi %gt3A_243, %lt3A_251 : i1
      %convert_element_type3A_253 = arith.extui %and3A_252 : i1 to i32
      %cond3A_254 = arith.constant 0 : i32
      %cond3A_255 = arith.cmpi ne, %convert_element_type3A_253, %cond3A_254 : i32
      scf.if %cond3A_255 {
        %dma_wait3A_381 = arith.constant 0 : i32
        %dma_wait3A_382 = arith.constant 0 : i32
        %dma_wait3A_383 = tpu.memref_slice %arg7[%dma_wait3A_381, %dma_wait3A_382] : memref<16x1000000xf32, #tpu.memory_space<hbm>> -> memref<16x128xf32, #tpu.memory_space<hbm>>
        %dma_wait3A_384 = arith.constant 0 : i32
        %dma_wait3A_385 = arith.constant 0 : i32
        %dma_wait3A_386 = tpu.memref_slice %arg7[%dma_wait3A_384, %dma_wait3A_385] : memref<16x1000000xf32, #tpu.memory_space<hbm>> -> memref<16x128xf32, #tpu.memory_space<hbm>>
        tpu.wait_dma2 semaphore(%arg50 : memref<!tpu.dma_semaphore, #tpu.memory_space<semaphore_mem>>) src(%dma_wait3A_386 : memref<16x128xf32, #tpu.memory_space<hbm>>) dst(%arg28 : memref<16x128xf32, #tpu.memory_space<vmem>>)
        %sub3A_387 = arith.constant 1 : i32
        %sub3A_388 = arith.subi %scan3A_16, %sub3A_387 : i32
        %mul3A_389 = arith.constant 4 : i32
        %mul3A_390 = arith.muli %sub3A_388, %mul3A_389 : i32
        %add3A_391 = arith.constant 2 : i32
        %add3A_392 = arith.addi %mul3A_390, %add3A_391 : i32
        %add3A_393 = vector.broadcast %add3A_392 : i32 to vector<16xi32>
        %add3A_394 = arith.addi %broadcast_in_dim3A_6, %add3A_393 : vector<16xi32>
        %gather3A = tpu.vector_load_idx %arg16[%add3A_394] : memref<128xi32, #tpu.memory_space<vmem>>[vector<16xi32>], vector<16xi32>,
        %and3A_395 = arith.constant 127 : i32
        %and3A_396 = vector.broadcast %and3A_395 : i32 to vector<16xi32>
        %and3A_397 = arith.andi %gather3A, %and3A_396 : vector<16xi32>
        %gather3A_398 = tpu.vector_load_idx %arg28[%iota3A, %and3A_397] : memref<16x128xf32, #tpu.memory_space<vmem>>[vector<16xi32>, vector<16xi32>], vector<16xf32>,
        %add3A_399 = vector.broadcast %add3A_392 : i32 to vector<16xi32>
        %add3A_400 = arith.addi %broadcast_in_dim3A_6, %add3A_399 : vector<16xi32>
        tpu.vector_store_idx %arg36[%iota3A, %add3A_400], %gather3A_398 : memref<16x128xf32, #tpu.memory_space<vmem>>[vector<16xi32>, vector<16xi32>], vector<16xf32>,
      } else {
      }
      %mul3A_256 = arith.constant 4 : i32
      %mul3A_257 = arith.muli %scan3A_16, %mul3A_256 : i32
      %add3A_258 = arith.constant 2 : i32
      %add3A_259 = arith.addi %mul3A_257, %add3A_258 : i32
      %lt3A_260 = arith.constant 128 : i32
      %lt3A_261 = arith.cmpi slt, %add3A_259, %lt3A_260 : i32
      %convert_element_type3A_262 = arith.extui %lt3A_261 : i1 to i32
      %cond3A_263 = arith.constant 0 : i32
      %cond3A_264 = arith.cmpi ne, %convert_element_type3A_262, %cond3A_263 : i32
      scf.if %cond3A_264 {
        %mul3A_381 = arith.constant 4 : i32
        %mul3A_382 = arith.muli %scan3A_16, %mul3A_381 : i32
        %add3A_383 = arith.constant 2 : i32
        %add3A_384 = arith.addi %mul3A_382, %add3A_383 : i32
        %add3A_385 = vector.broadcast %add3A_384 : i32 to vector<16xi32>
        %add3A_386 = arith.addi %broadcast_in_dim3A_6, %add3A_385 : vector<16xi32>
        %gather3A = tpu.vector_load_idx %arg16[%add3A_386] : memref<128xi32, #tpu.memory_space<vmem>>[vector<16xi32>], vector<16xi32>,
        %shift_right_logical3A = arith.constant 7 : i32
        %shift_right_logical3A_387 = vector.broadcast %shift_right_logical3A : i32 to vector<16xi32>
        %shift_right_logical3A_388 = arith.shrui %gather3A, %shift_right_logical3A_387 : vector<16xi32>
        %shift_left3A = arith.constant 7 : i32
        %shift_left3A_389 = vector.broadcast %shift_left3A : i32 to vector<16xi32>
        %shift_left3A_390 = arith.shli %shift_right_logical3A_388, %shift_left3A_389 : vector<16xi32>
        %reduce_max3A = arith.constant true
        %reduce_max3A_391 = vector.broadcast %reduce_max3A : i1 to vector<16xi1>
        %reduce_max3A_392 = arith.constant -2147483648 : i32
        %reduce_max3A_393 = vector.broadcast %reduce_max3A_392 : i32 to vector<16xi32>
        %reduce_max3A_394 = arith.xori %shift_left3A_390, %reduce_max3A_393 : vector<16xi32>
        %reduce_max3A_395 = tpu.scan <max>, %reduce_max3A_394 masked %reduce_max3A_391 : vector<16xi32>, vector<16xi1> -> vector<16xi32>
        %reduce_max3A_396 = arith.xori %reduce_max3A_395, %reduce_max3A_393 : vector<16xi32>
        %reduce_max3A_397 = vector.extract %reduce_max3A_396[15] : i32 from vector<16xi32>
        %multiple_of3A = tpu.assume_multiple %reduce_max3A_397, 128 : i32
        %dma_start3A_398 = arith.constant 0 : i32
        %dma_start3A_399 = tpu.memref_slice %arg7[%dma_start3A_398, %multiple_of3A] : memref<16x1000000xf32, #tpu.memory_space<hbm>> -> memref<16x128xf32, #tpu.memory_space<hbm>>
        %dma_start3A_400 = arith.constant 0 : i32
        %dma_start3A_401 = tpu.memref_slice %arg7[%dma_start3A_400, %multiple_of3A] : memref<16x1000000xf32, #tpu.memory_space<hbm>> -> memref<16x128xf32, #tpu.memory_space<hbm>>
        tpu.enqueue_dma source(%dma_start3A_401 : memref<16x128xf32, #tpu.memory_space<hbm>>) target(%arg28 : memref<16x128xf32, #tpu.memory_space<vmem>>) target_semaphore(%arg50 : memref<!tpu.dma_semaphore, #tpu.memory_space<semaphore_mem>>)
      } else {
      }
      %gt3A_265 = arith.constant 0 : i32
      %gt3A_266 = arith.cmpi sgt, %scan3A_16, %gt3A_265 : i32
      %sub3A_267 = arith.constant 1 : i32
      %sub3A_268 = arith.subi %scan3A_16, %sub3A_267 : i32
      %mul3A_269 = arith.constant 4 : i32
      %mul3A_270 = arith.muli %sub3A_268, %mul3A_269 : i32
      %add3A_271 = arith.constant 2 : i32
      %add3A_272 = arith.addi %mul3A_270, %add3A_271 : i32
      %lt3A_273 = arith.constant 128 : i32
      %lt3A_274 = arith.cmpi slt, %add3A_272, %lt3A_273 : i32
      %and3A_275 = arith.andi %gt3A_266, %lt3A_274 : i1
      %convert_element_type3A_276 = arith.extui %and3A_275 : i1 to i32
      %cond3A_277 = arith.constant 0 : i32
      %cond3A_278 = arith.cmpi ne, %convert_element_type3A_276, %cond3A_277 : i32
      scf.if %cond3A_278 {
        %dma_wait3A_381 = arith.constant 0 : i32
        %dma_wait3A_382 = arith.constant 0 : i32
        %dma_wait3A_383 = tpu.memref_slice %arg7[%dma_wait3A_381, %dma_wait3A_382] : memref<16x1000000xf32, #tpu.memory_space<hbm>> -> memref<16x128xf32, #tpu.memory_space<hbm>>
        %dma_wait3A_384 = arith.constant 0 : i32
        %dma_wait3A_385 = arith.constant 0 : i32
        %dma_wait3A_386 = tpu.memref_slice %arg7[%dma_wait3A_384, %dma_wait3A_385] : memref<16x1000000xf32, #tpu.memory_space<hbm>> -> memref<16x128xf32, #tpu.memory_space<hbm>>
        tpu.wait_dma2 semaphore(%arg54 : memref<!tpu.dma_semaphore, #tpu.memory_space<semaphore_mem>>) src(%dma_wait3A_386 : memref<16x128xf32, #tpu.memory_space<hbm>>) dst(%arg32 : memref<16x128xf32, #tpu.memory_space<vmem>>)
        %sub3A_387 = arith.constant 1 : i32
        %sub3A_388 = arith.subi %scan3A_16, %sub3A_387 : i32
        %mul3A_389 = arith.constant 4 : i32
        %mul3A_390 = arith.muli %sub3A_388, %mul3A_389 : i32
        %add3A_391 = arith.constant 2 : i32
        %add3A_392 = arith.addi %mul3A_390, %add3A_391 : i32
        %add3A_393 = vector.broadcast %add3A_392 : i32 to vector<16xi32>
        %add3A_394 = arith.addi %broadcast_in_dim3A_6, %add3A_393 : vector<16xi32>
        %gather3A = tpu.vector_load_idx %arg17[%add3A_394] : memref<128xi32, #tpu.memory_space<vmem>>[vector<16xi32>], vector<16xi32>,
        %and3A_395 = arith.constant 127 : i32
        %and3A_396 = vector.broadcast %and3A_395 : i32 to vector<16xi32>
        %and3A_397 = arith.andi %gather3A, %and3A_396 : vector<16xi32>
        %gather3A_398 = tpu.vector_load_idx %arg32[%iota3A, %and3A_397] : memref<16x128xf32, #tpu.memory_space<vmem>>[vector<16xi32>, vector<16xi32>], vector<16xf32>,
        %add3A_399 = vector.broadcast %add3A_392 : i32 to vector<16xi32>
        %add3A_400 = arith.addi %broadcast_in_dim3A_6, %add3A_399 : vector<16xi32>
        tpu.vector_store_idx %arg37[%iota3A, %add3A_400], %gather3A_398 : memref<16x128xf32, #tpu.memory_space<vmem>>[vector<16xi32>, vector<16xi32>], vector<16xf32>,
      } else {
      }
      %mul3A_279 = arith.constant 4 : i32
      %mul3A_280 = arith.muli %scan3A_16, %mul3A_279 : i32
      %add3A_281 = arith.constant 2 : i32
      %add3A_282 = arith.addi %mul3A_280, %add3A_281 : i32
      %lt3A_283 = arith.constant 128 : i32
      %lt3A_284 = arith.cmpi slt, %add3A_282, %lt3A_283 : i32
      %convert_element_type3A_285 = arith.extui %lt3A_284 : i1 to i32
      %cond3A_286 = arith.constant 0 : i32
      %cond3A_287 = arith.cmpi ne, %convert_element_type3A_285, %cond3A_286 : i32
      scf.if %cond3A_287 {
        %mul3A_381 = arith.constant 4 : i32
        %mul3A_382 = arith.muli %scan3A_16, %mul3A_381 : i32
        %add3A_383 = arith.constant 2 : i32
        %add3A_384 = arith.addi %mul3A_382, %add3A_383 : i32
        %add3A_385 = vector.broadcast %add3A_384 : i32 to vector<16xi32>
        %add3A_386 = arith.addi %broadcast_in_dim3A_6, %add3A_385 : vector<16xi32>
        %gather3A = tpu.vector_load_idx %arg17[%add3A_386] : memref<128xi32, #tpu.memory_space<vmem>>[vector<16xi32>], vector<16xi32>,
        %shift_right_logical3A = arith.constant 7 : i32
        %shift_right_logical3A_387 = vector.broadcast %shift_right_logical3A : i32 to vector<16xi32>
        %shift_right_logical3A_388 = arith.shrui %gather3A, %shift_right_logical3A_387 : vector<16xi32>
        %shift_left3A = arith.constant 7 : i32
        %shift_left3A_389 = vector.broadcast %shift_left3A : i32 to vector<16xi32>
        %shift_left3A_390 = arith.shli %shift_right_logical3A_388, %shift_left3A_389 : vector<16xi32>
        %reduce_max3A = arith.constant true
        %reduce_max3A_391 = vector.broadcast %reduce_max3A : i1 to vector<16xi1>
        %reduce_max3A_392 = arith.constant -2147483648 : i32
        %reduce_max3A_393 = vector.broadcast %reduce_max3A_392 : i32 to vector<16xi32>
        %reduce_max3A_394 = arith.xori %shift_left3A_390, %reduce_max3A_393 : vector<16xi32>
        %reduce_max3A_395 = tpu.scan <max>, %reduce_max3A_394 masked %reduce_max3A_391 : vector<16xi32>, vector<16xi1> -> vector<16xi32>
        %reduce_max3A_396 = arith.xori %reduce_max3A_395, %reduce_max3A_393 : vector<16xi32>
        %reduce_max3A_397 = vector.extract %reduce_max3A_396[15] : i32 from vector<16xi32>
        %multiple_of3A = tpu.assume_multiple %reduce_max3A_397, 128 : i32
        %dma_start3A_398 = arith.constant 0 : i32
        %dma_start3A_399 = tpu.memref_slice %arg7[%dma_start3A_398, %multiple_of3A] : memref<16x1000000xf32, #tpu.memory_space<hbm>> -> memref<16x128xf32, #tpu.memory_space<hbm>>
        %dma_start3A_400 = arith.constant 0 : i32
        %dma_start3A_401 = tpu.memref_slice %arg7[%dma_start3A_400, %multiple_of3A] : memref<16x1000000xf32, #tpu.memory_space<hbm>> -> memref<16x128xf32, #tpu.memory_space<hbm>>
        tpu.enqueue_dma source(%dma_start3A_401 : memref<16x128xf32, #tpu.memory_space<hbm>>) target(%arg32 : memref<16x128xf32, #tpu.memory_space<vmem>>) target_semaphore(%arg54 : memref<!tpu.dma_semaphore, #tpu.memory_space<semaphore_mem>>)
      } else {
      }
      %gt3A_288 = arith.constant 0 : i32
      %gt3A_289 = arith.cmpi sgt, %scan3A_16, %gt3A_288 : i32
      %sub3A_290 = arith.constant 1 : i32
      %sub3A_291 = arith.subi %scan3A_16, %sub3A_290 : i32
      %mul3A_292 = arith.constant 4 : i32
      %mul3A_293 = arith.muli %sub3A_291, %mul3A_292 : i32
      %add3A_294 = arith.constant 3 : i32
      %add3A_295 = arith.addi %mul3A_293, %add3A_294 : i32
      %lt3A_296 = arith.constant 128 : i32
      %lt3A_297 = arith.cmpi slt, %add3A_295, %lt3A_296 : i32
      %and3A_298 = arith.andi %gt3A_289, %lt3A_297 : i1
      %convert_element_type3A_299 = arith.extui %and3A_298 : i1 to i32
      %cond3A_300 = arith.constant 0 : i32
      %cond3A_301 = arith.cmpi ne, %convert_element_type3A_299, %cond3A_300 : i32
      scf.if %cond3A_301 {
        %dma_wait3A_381 = arith.constant 0 : i32
        %dma_wait3A_382 = arith.constant 0 : i32
        %dma_wait3A_383 = tpu.memref_slice %arg6[%dma_wait3A_381, %dma_wait3A_382] : memref<16x1000000xf32, #tpu.memory_space<hbm>> -> memref<16x128xf32, #tpu.memory_space<hbm>>
        %dma_wait3A_384 = arith.constant 0 : i32
        %dma_wait3A_385 = arith.constant 0 : i32
        %dma_wait3A_386 = tpu.memref_slice %arg6[%dma_wait3A_384, %dma_wait3A_385] : memref<16x1000000xf32, #tpu.memory_space<hbm>> -> memref<16x128xf32, #tpu.memory_space<hbm>>
        tpu.wait_dma2 semaphore(%arg43 : memref<!tpu.dma_semaphore, #tpu.memory_space<semaphore_mem>>) src(%dma_wait3A_386 : memref<16x128xf32, #tpu.memory_space<hbm>>) dst(%arg21 : memref<16x128xf32, #tpu.memory_space<vmem>>)
        %sub3A_387 = arith.constant 1 : i32
        %sub3A_388 = arith.subi %scan3A_16, %sub3A_387 : i32
        %mul3A_389 = arith.constant 4 : i32
        %mul3A_390 = arith.muli %sub3A_388, %mul3A_389 : i32
        %add3A_391 = arith.constant 3 : i32
        %add3A_392 = arith.addi %mul3A_390, %add3A_391 : i32
        %add3A_393 = vector.broadcast %add3A_392 : i32 to vector<16xi32>
        %add3A_394 = arith.addi %broadcast_in_dim3A_6, %add3A_393 : vector<16xi32>
        %gather3A = tpu.vector_load_idx %arg15[%add3A_394] : memref<128xi32, #tpu.memory_space<vmem>>[vector<16xi32>], vector<16xi32>,
        %and3A_395 = arith.constant 127 : i32
        %and3A_396 = vector.broadcast %and3A_395 : i32 to vector<16xi32>
        %and3A_397 = arith.andi %gather3A, %and3A_396 : vector<16xi32>
        %gather3A_398 = tpu.vector_load_idx %arg21[%iota3A, %and3A_397] : memref<16x128xf32, #tpu.memory_space<vmem>>[vector<16xi32>, vector<16xi32>], vector<16xf32>,
        %add3A_399 = vector.broadcast %add3A_392 : i32 to vector<16xi32>
        %add3A_400 = arith.addi %broadcast_in_dim3A_6, %add3A_399 : vector<16xi32>
        tpu.vector_store_idx %arg34[%iota3A, %add3A_400], %gather3A_398 : memref<16x128xf32, #tpu.memory_space<vmem>>[vector<16xi32>, vector<16xi32>], vector<16xf32>,
      } else {
      }
      %mul3A_302 = arith.constant 4 : i32
      %mul3A_303 = arith.muli %scan3A_16, %mul3A_302 : i32
      %add3A_304 = arith.constant 3 : i32
      %add3A_305 = arith.addi %mul3A_303, %add3A_304 : i32
      %lt3A_306 = arith.constant 128 : i32
      %lt3A_307 = arith.cmpi slt, %add3A_305, %lt3A_306 : i32
      %convert_element_type3A_308 = arith.extui %lt3A_307 : i1 to i32
      %cond3A_309 = arith.constant 0 : i32
      %cond3A_310 = arith.cmpi ne, %convert_element_type3A_308, %cond3A_309 : i32
      scf.if %cond3A_310 {
        %mul3A_381 = arith.constant 4 : i32
        %mul3A_382 = arith.muli %scan3A_16, %mul3A_381 : i32
        %add3A_383 = arith.constant 3 : i32
        %add3A_384 = arith.addi %mul3A_382, %add3A_383 : i32
        %add3A_385 = vector.broadcast %add3A_384 : i32 to vector<16xi32>
        %add3A_386 = arith.addi %broadcast_in_dim3A_6, %add3A_385 : vector<16xi32>
        %gather3A = tpu.vector_load_idx %arg15[%add3A_386] : memref<128xi32, #tpu.memory_space<vmem>>[vector<16xi32>], vector<16xi32>,
        %shift_right_logical3A = arith.constant 7 : i32
        %shift_right_logical3A_387 = vector.broadcast %shift_right_logical3A : i32 to vector<16xi32>
        %shift_right_logical3A_388 = arith.shrui %gather3A, %shift_right_logical3A_387 : vector<16xi32>
        %shift_left3A = arith.constant 7 : i32
        %shift_left3A_389 = vector.broadcast %shift_left3A : i32 to vector<16xi32>
        %shift_left3A_390 = arith.shli %shift_right_logical3A_388, %shift_left3A_389 : vector<16xi32>
        %reduce_max3A = arith.constant true
        %reduce_max3A_391 = vector.broadcast %reduce_max3A : i1 to vector<16xi1>
        %reduce_max3A_392 = arith.constant -2147483648 : i32
        %reduce_max3A_393 = vector.broadcast %reduce_max3A_392 : i32 to vector<16xi32>
        %reduce_max3A_394 = arith.xori %shift_left3A_390, %reduce_max3A_393 : vector<16xi32>
        %reduce_max3A_395 = tpu.scan <max>, %reduce_max3A_394 masked %reduce_max3A_391 : vector<16xi32>, vector<16xi1> -> vector<16xi32>
        %reduce_max3A_396 = arith.xori %reduce_max3A_395, %reduce_max3A_393 : vector<16xi32>
        %reduce_max3A_397 = vector.extract %reduce_max3A_396[15] : i32 from vector<16xi32>
        %multiple_of3A = tpu.assume_multiple %reduce_max3A_397, 128 : i32
        %dma_start3A_398 = arith.constant 0 : i32
        %dma_start3A_399 = tpu.memref_slice %arg6[%dma_start3A_398, %multiple_of3A] : memref<16x1000000xf32, #tpu.memory_space<hbm>> -> memref<16x128xf32, #tpu.memory_space<hbm>>
        %dma_start3A_400 = arith.constant 0 : i32
        %dma_start3A_401 = tpu.memref_slice %arg6[%dma_start3A_400, %multiple_of3A] : memref<16x1000000xf32, #tpu.memory_space<hbm>> -> memref<16x128xf32, #tpu.memory_space<hbm>>
        tpu.enqueue_dma source(%dma_start3A_401 : memref<16x128xf32, #tpu.memory_space<hbm>>) target(%arg21 : memref<16x128xf32, #tpu.memory_space<vmem>>) target_semaphore(%arg43 : memref<!tpu.dma_semaphore, #tpu.memory_space<semaphore_mem>>)
      } else {
      }
      %gt3A_311 = arith.constant 0 : i32
      %gt3A_312 = arith.cmpi sgt, %scan3A_16, %gt3A_311 : i32
      %sub3A_313 = arith.constant 1 : i32
      %sub3A_314 = arith.subi %scan3A_16, %sub3A_313 : i32
      %mul3A_315 = arith.constant 4 : i32
      %mul3A_316 = arith.muli %sub3A_314, %mul3A_315 : i32
      %add3A_317 = arith.constant 3 : i32
      %add3A_318 = arith.addi %mul3A_316, %add3A_317 : i32
      %lt3A_319 = arith.constant 128 : i32
      %lt3A_320 = arith.cmpi slt, %add3A_318, %lt3A_319 : i32
      %and3A_321 = arith.andi %gt3A_312, %lt3A_320 : i1
      %convert_element_type3A_322 = arith.extui %and3A_321 : i1 to i32
      %cond3A_323 = arith.constant 0 : i32
      %cond3A_324 = arith.cmpi ne, %convert_element_type3A_322, %cond3A_323 : i32
      scf.if %cond3A_324 {
        %dma_wait3A_381 = arith.constant 0 : i32
        %dma_wait3A_382 = arith.constant 0 : i32
        %dma_wait3A_383 = tpu.memref_slice %arg8[%dma_wait3A_381, %dma_wait3A_382] : memref<16x1000000xf32, #tpu.memory_space<hbm>> -> memref<16x128xf32, #tpu.memory_space<hbm>>
        %dma_wait3A_384 = arith.constant 0 : i32
        %dma_wait3A_385 = arith.constant 0 : i32
        %dma_wait3A_386 = tpu.memref_slice %arg8[%dma_wait3A_384, %dma_wait3A_385] : memref<16x1000000xf32, #tpu.memory_space<hbm>> -> memref<16x128xf32, #tpu.memory_space<hbm>>
        tpu.wait_dma2 semaphore(%arg47 : memref<!tpu.dma_semaphore, #tpu.memory_space<semaphore_mem>>) src(%dma_wait3A_386 : memref<16x128xf32, #tpu.memory_space<hbm>>) dst(%arg25 : memref<16x128xf32, #tpu.memory_space<vmem>>)
        %sub3A_387 = arith.constant 1 : i32
        %sub3A_388 = arith.subi %scan3A_16, %sub3A_387 : i32
        %mul3A_389 = arith.constant 4 : i32
        %mul3A_390 = arith.muli %sub3A_388, %mul3A_389 : i32
        %add3A_391 = arith.constant 3 : i32
        %add3A_392 = arith.addi %mul3A_390, %add3A_391 : i32
        %add3A_393 = vector.broadcast %add3A_392 : i32 to vector<16xi32>
        %add3A_394 = arith.addi %broadcast_in_dim3A_6, %add3A_393 : vector<16xi32>
        %gather3A = tpu.vector_load_idx %arg15[%add3A_394] : memref<128xi32, #tpu.memory_space<vmem>>[vector<16xi32>], vector<16xi32>,
        %and3A_395 = arith.constant 127 : i32
        %and3A_396 = vector.broadcast %and3A_395 : i32 to vector<16xi32>
        %and3A_397 = arith.andi %gather3A, %and3A_396 : vector<16xi32>
        %gather3A_398 = tpu.vector_load_idx %arg25[%iota3A, %and3A_397] : memref<16x128xf32, #tpu.memory_space<vmem>>[vector<16xi32>, vector<16xi32>], vector<16xf32>,
        %add3A_399 = vector.broadcast %add3A_392 : i32 to vector<16xi32>
        %add3A_400 = arith.addi %broadcast_in_dim3A_6, %add3A_399 : vector<16xi32>
        tpu.vector_store_idx %arg35[%iota3A, %add3A_400], %gather3A_398 : memref<16x128xf32, #tpu.memory_space<vmem>>[vector<16xi32>, vector<16xi32>], vector<16xf32>,
      } else {
      }
      %mul3A_325 = arith.constant 4 : i32
      %mul3A_326 = arith.muli %scan3A_16, %mul3A_325 : i32
      %add3A_327 = arith.constant 3 : i32
      %add3A_328 = arith.addi %mul3A_326, %add3A_327 : i32
      %lt3A_329 = arith.constant 128 : i32
      %lt3A_330 = arith.cmpi slt, %add3A_328, %lt3A_329 : i32
      %convert_element_type3A_331 = arith.extui %lt3A_330 : i1 to i32
      %cond3A_332 = arith.constant 0 : i32
      %cond3A_333 = arith.cmpi ne, %convert_element_type3A_331, %cond3A_332 : i32
      scf.if %cond3A_333 {
        %mul3A_381 = arith.constant 4 : i32
        %mul3A_382 = arith.muli %scan3A_16, %mul3A_381 : i32
        %add3A_383 = arith.constant 3 : i32
        %add3A_384 = arith.addi %mul3A_382, %add3A_383 : i32
        %add3A_385 = vector.broadcast %add3A_384 : i32 to vector<16xi32>
        %add3A_386 = arith.addi %broadcast_in_dim3A_6, %add3A_385 : vector<16xi32>
        %gather3A = tpu.vector_load_idx %arg15[%add3A_386] : memref<128xi32, #tpu.memory_space<vmem>>[vector<16xi32>], vector<16xi32>,
        %shift_right_logical3A = arith.constant 7 : i32
        %shift_right_logical3A_387 = vector.broadcast %shift_right_logical3A : i32 to vector<16xi32>
        %shift_right_logical3A_388 = arith.shrui %gather3A, %shift_right_logical3A_387 : vector<16xi32>
        %shift_left3A = arith.constant 7 : i32
        %shift_left3A_389 = vector.broadcast %shift_left3A : i32 to vector<16xi32>
        %shift_left3A_390 = arith.shli %shift_right_logical3A_388, %shift_left3A_389 : vector<16xi32>
        %reduce_max3A = arith.constant true
        %reduce_max3A_391 = vector.broadcast %reduce_max3A : i1 to vector<16xi1>
        %reduce_max3A_392 = arith.constant -2147483648 : i32
        %reduce_max3A_393 = vector.broadcast %reduce_max3A_392 : i32 to vector<16xi32>
        %reduce_max3A_394 = arith.xori %shift_left3A_390, %reduce_max3A_393 : vector<16xi32>
        %reduce_max3A_395 = tpu.scan <max>, %reduce_max3A_394 masked %reduce_max3A_391 : vector<16xi32>, vector<16xi1> -> vector<16xi32>
        %reduce_max3A_396 = arith.xori %reduce_max3A_395, %reduce_max3A_393 : vector<16xi32>
        %reduce_max3A_397 = vector.extract %reduce_max3A_396[15] : i32 from vector<16xi32>
        %multiple_of3A = tpu.assume_multiple %reduce_max3A_397, 128 : i32
        %dma_start3A_398 = arith.constant 0 : i32
        %dma_start3A_399 = tpu.memref_slice %arg8[%dma_start3A_398, %multiple_of3A] : memref<16x1000000xf32, #tpu.memory_space<hbm>> -> memref<16x128xf32, #tpu.memory_space<hbm>>
        %dma_start3A_400 = arith.constant 0 : i32
        %dma_start3A_401 = tpu.memref_slice %arg8[%dma_start3A_400, %multiple_of3A] : memref<16x1000000xf32, #tpu.memory_space<hbm>> -> memref<16x128xf32, #tpu.memory_space<hbm>>
        tpu.enqueue_dma source(%dma_start3A_401 : memref<16x128xf32, #tpu.memory_space<hbm>>) target(%arg25 : memref<16x128xf32, #tpu.memory_space<vmem>>) target_semaphore(%arg47 : memref<!tpu.dma_semaphore, #tpu.memory_space<semaphore_mem>>)
      } else {
      }
      %gt3A_334 = arith.constant 0 : i32
      %gt3A_335 = arith.cmpi sgt, %scan3A_16, %gt3A_334 : i32
      %sub3A_336 = arith.constant 1 : i32
      %sub3A_337 = arith.subi %scan3A_16, %sub3A_336 : i32
      %mul3A_338 = arith.constant 4 : i32
      %mul3A_339 = arith.muli %sub3A_337, %mul3A_338 : i32
      %add3A_340 = arith.constant 3 : i32
      %add3A_341 = arith.addi %mul3A_339, %add3A_340 : i32
      %lt3A_342 = arith.constant 128 : i32
      %lt3A_343 = arith.cmpi slt, %add3A_341, %lt3A_342 : i32
      %and3A_344 = arith.andi %gt3A_335, %lt3A_343 : i1
      %convert_element_type3A_345 = arith.extui %and3A_344 : i1 to i32
      %cond3A_346 = arith.constant 0 : i32
      %cond3A_347 = arith.cmpi ne, %convert_element_type3A_345, %cond3A_346 : i32
      scf.if %cond3A_347 {
        %dma_wait3A_381 = arith.constant 0 : i32
        %dma_wait3A_382 = arith.constant 0 : i32
        %dma_wait3A_383 = tpu.memref_slice %arg7[%dma_wait3A_381, %dma_wait3A_382] : memref<16x1000000xf32, #tpu.memory_space<hbm>> -> memref<16x128xf32, #tpu.memory_space<hbm>>
        %dma_wait3A_384 = arith.constant 0 : i32
        %dma_wait3A_385 = arith.constant 0 : i32
        %dma_wait3A_386 = tpu.memref_slice %arg7[%dma_wait3A_384, %dma_wait3A_385] : memref<16x1000000xf32, #tpu.memory_space<hbm>> -> memref<16x128xf32, #tpu.memory_space<hbm>>
        tpu.wait_dma2 semaphore(%arg51 : memref<!tpu.dma_semaphore, #tpu.memory_space<semaphore_mem>>) src(%dma_wait3A_386 : memref<16x128xf32, #tpu.memory_space<hbm>>) dst(%arg29 : memref<16x128xf32, #tpu.memory_space<vmem>>)
        %sub3A_387 = arith.constant 1 : i32
        %sub3A_388 = arith.subi %scan3A_16, %sub3A_387 : i32
        %mul3A_389 = arith.constant 4 : i32
        %mul3A_390 = arith.muli %sub3A_388, %mul3A_389 : i32
        %add3A_391 = arith.constant 3 : i32
        %add3A_392 = arith.addi %mul3A_390, %add3A_391 : i32
        %add3A_393 = vector.broadcast %add3A_392 : i32 to vector<16xi32>
        %add3A_394 = arith.addi %broadcast_in_dim3A_6, %add3A_393 : vector<16xi32>
        %gather3A = tpu.vector_load_idx %arg16[%add3A_394] : memref<128xi32, #tpu.memory_space<vmem>>[vector<16xi32>], vector<16xi32>,
        %and3A_395 = arith.constant 127 : i32
        %and3A_396 = vector.broadcast %and3A_395 : i32 to vector<16xi32>
        %and3A_397 = arith.andi %gather3A, %and3A_396 : vector<16xi32>
        %gather3A_398 = tpu.vector_load_idx %arg29[%iota3A, %and3A_397] : memref<16x128xf32, #tpu.memory_space<vmem>>[vector<16xi32>, vector<16xi32>], vector<16xf32>,
        %add3A_399 = vector.broadcast %add3A_392 : i32 to vector<16xi32>
        %add3A_400 = arith.addi %broadcast_in_dim3A_6, %add3A_399 : vector<16xi32>
        tpu.vector_store_idx %arg36[%iota3A, %add3A_400], %gather3A_398 : memref<16x128xf32, #tpu.memory_space<vmem>>[vector<16xi32>, vector<16xi32>], vector<16xf32>,
      } else {
      }
      %mul3A_348 = arith.constant 4 : i32
      %mul3A_349 = arith.muli %scan3A_16, %mul3A_348 : i32
      %add3A_350 = arith.constant 3 : i32
      %add3A_351 = arith.addi %mul3A_349, %add3A_350 : i32
      %lt3A_352 = arith.constant 128 : i32
      %lt3A_353 = arith.cmpi slt, %add3A_351, %lt3A_352 : i32
      %convert_element_type3A_354 = arith.extui %lt3A_353 : i1 to i32
      %cond3A_355 = arith.constant 0 : i32
      %cond3A_356 = arith.cmpi ne, %convert_element_type3A_354, %cond3A_355 : i32
      scf.if %cond3A_356 {
        %mul3A_381 = arith.constant 4 : i32
        %mul3A_382 = arith.muli %scan3A_16, %mul3A_381 : i32
        %add3A_383 = arith.constant 3 : i32
        %add3A_384 = arith.addi %mul3A_382, %add3A_383 : i32
        %add3A_385 = vector.broadcast %add3A_384 : i32 to vector<16xi32>
        %add3A_386 = arith.addi %broadcast_in_dim3A_6, %add3A_385 : vector<16xi32>
        %gather3A = tpu.vector_load_idx %arg16[%add3A_386] : memref<128xi32, #tpu.memory_space<vmem>>[vector<16xi32>], vector<16xi32>,
        %shift_right_logical3A = arith.constant 7 : i32
        %shift_right_logical3A_387 = vector.broadcast %shift_right_logical3A : i32 to vector<16xi32>
        %shift_right_logical3A_388 = arith.shrui %gather3A, %shift_right_logical3A_387 : vector<16xi32>
        %shift_left3A = arith.constant 7 : i32
        %shift_left3A_389 = vector.broadcast %shift_left3A : i32 to vector<16xi32>
        %shift_left3A_390 = arith.shli %shift_right_logical3A_388, %shift_left3A_389 : vector<16xi32>
        %reduce_max3A = arith.constant true
        %reduce_max3A_391 = vector.broadcast %reduce_max3A : i1 to vector<16xi1>
        %reduce_max3A_392 = arith.constant -2147483648 : i32
        %reduce_max3A_393 = vector.broadcast %reduce_max3A_392 : i32 to vector<16xi32>
        %reduce_max3A_394 = arith.xori %shift_left3A_390, %reduce_max3A_393 : vector<16xi32>
        %reduce_max3A_395 = tpu.scan <max>, %reduce_max3A_394 masked %reduce_max3A_391 : vector<16xi32>, vector<16xi1> -> vector<16xi32>
        %reduce_max3A_396 = arith.xori %reduce_max3A_395, %reduce_max3A_393 : vector<16xi32>
        %reduce_max3A_397 = vector.extract %reduce_max3A_396[15] : i32 from vector<16xi32>
        %multiple_of3A = tpu.assume_multiple %reduce_max3A_397, 128 : i32
        %dma_start3A_398 = arith.constant 0 : i32
        %dma_start3A_399 = tpu.memref_slice %arg7[%dma_start3A_398, %multiple_of3A] : memref<16x1000000xf32, #tpu.memory_space<hbm>> -> memref<16x128xf32, #tpu.memory_space<hbm>>
        %dma_start3A_400 = arith.constant 0 : i32
        %dma_start3A_401 = tpu.memref_slice %arg7[%dma_start3A_400, %multiple_of3A] : memref<16x1000000xf32, #tpu.memory_space<hbm>> -> memref<16x128xf32, #tpu.memory_space<hbm>>
        tpu.enqueue_dma source(%dma_start3A_401 : memref<16x128xf32, #tpu.memory_space<hbm>>) target(%arg29 : memref<16x128xf32, #tpu.memory_space<vmem>>) target_semaphore(%arg51 : memref<!tpu.dma_semaphore, #tpu.memory_space<semaphore_mem>>)
      } else {
      }
      %gt3A_357 = arith.constant 0 : i32
      %gt3A_358 = arith.cmpi sgt, %scan3A_16, %gt3A_357 : i32
      %sub3A_359 = arith.constant 1 : i32
      %sub3A_360 = arith.subi %scan3A_16, %sub3A_359 : i32
      %mul3A_361 = arith.constant 4 : i32
      %mul3A_362 = arith.muli %sub3A_360, %mul3A_361 : i32
      %add3A_363 = arith.constant 3 : i32
      %add3A_364 = arith.addi %mul3A_362, %add3A_363 : i32
      %lt3A_365 = arith.constant 128 : i32
      %lt3A_366 = arith.cmpi slt, %add3A_364, %lt3A_365 : i32
      %and3A_367 = arith.andi %gt3A_358, %lt3A_366 : i1
      %convert_element_type3A_368 = arith.extui %and3A_367 : i1 to i32
      %cond3A_369 = arith.constant 0 : i32
      %cond3A_370 = arith.cmpi ne, %convert_element_type3A_368, %cond3A_369 : i32
      scf.if %cond3A_370 {
        %dma_wait3A_381 = arith.constant 0 : i32
        %dma_wait3A_382 = arith.constant 0 : i32
        %dma_wait3A_383 = tpu.memref_slice %arg7[%dma_wait3A_381, %dma_wait3A_382] : memref<16x1000000xf32, #tpu.memory_space<hbm>> -> memref<16x128xf32, #tpu.memory_space<hbm>>
        %dma_wait3A_384 = arith.constant 0 : i32
        %dma_wait3A_385 = arith.constant 0 : i32
        %dma_wait3A_386 = tpu.memref_slice %arg7[%dma_wait3A_384, %dma_wait3A_385] : memref<16x1000000xf32, #tpu.memory_space<hbm>> -> memref<16x128xf32, #tpu.memory_space<hbm>>
        tpu.wait_dma2 semaphore(%arg55 : memref<!tpu.dma_semaphore, #tpu.memory_space<semaphore_mem>>) src(%dma_wait3A_386 : memref<16x128xf32, #tpu.memory_space<hbm>>) dst(%arg33 : memref<16x128xf32, #tpu.memory_space<vmem>>)
        %sub3A_387 = arith.constant 1 : i32
        %sub3A_388 = arith.subi %scan3A_16, %sub3A_387 : i32
        %mul3A_389 = arith.constant 4 : i32
        %mul3A_390 = arith.muli %sub3A_388, %mul3A_389 : i32
        %add3A_391 = arith.constant 3 : i32
        %add3A_392 = arith.addi %mul3A_390, %add3A_391 : i32
        %add3A_393 = vector.broadcast %add3A_392 : i32 to vector<16xi32>
        %add3A_394 = arith.addi %broadcast_in_dim3A_6, %add3A_393 : vector<16xi32>
        %gather3A = tpu.vector_load_idx %arg17[%add3A_394] : memref<128xi32, #tpu.memory_space<vmem>>[vector<16xi32>], vector<16xi32>,
        %and3A_395 = arith.constant 127 : i32
        %and3A_396 = vector.broadcast %and3A_395 : i32 to vector<16xi32>
        %and3A_397 = arith.andi %gather3A, %and3A_396 : vector<16xi32>
        %gather3A_398 = tpu.vector_load_idx %arg33[%iota3A, %and3A_397] : memref<16x128xf32, #tpu.memory_space<vmem>>[vector<16xi32>, vector<16xi32>], vector<16xf32>,
        %add3A_399 = vector.broadcast %add3A_392 : i32 to vector<16xi32>
        %add3A_400 = arith.addi %broadcast_in_dim3A_6, %add3A_399 : vector<16xi32>
        tpu.vector_store_idx %arg37[%iota3A, %add3A_400], %gather3A_398 : memref<16x128xf32, #tpu.memory_space<vmem>>[vector<16xi32>, vector<16xi32>], vector<16xf32>,
      } else {
      }
      %mul3A_371 = arith.constant 4 : i32
      %mul3A_372 = arith.muli %scan3A_16, %mul3A_371 : i32
      %add3A_373 = arith.constant 3 : i32
      %add3A_374 = arith.addi %mul3A_372, %add3A_373 : i32
      %lt3A_375 = arith.constant 128 : i32
      %lt3A_376 = arith.cmpi slt, %add3A_374, %lt3A_375 : i32
      %convert_element_type3A_377 = arith.extui %lt3A_376 : i1 to i32
      %cond3A_378 = arith.constant 0 : i32
      %cond3A_379 = arith.cmpi ne, %convert_element_type3A_377, %cond3A_378 : i32
      scf.if %cond3A_379 {
        %mul3A_381 = arith.constant 4 : i32
        %mul3A_382 = arith.muli %scan3A_16, %mul3A_381 : i32
        %add3A_383 = arith.constant 3 : i32
        %add3A_384 = arith.addi %mul3A_382, %add3A_383 : i32
        %add3A_385 = vector.broadcast %add3A_384 : i32 to vector<16xi32>
        %add3A_386 = arith.addi %broadcast_in_dim3A_6, %add3A_385 : vector<16xi32>
        %gather3A = tpu.vector_load_idx %arg17[%add3A_386] : memref<128xi32, #tpu.memory_space<vmem>>[vector<16xi32>], vector<16xi32>,
        %shift_right_logical3A = arith.constant 7 : i32
        %shift_right_logical3A_387 = vector.broadcast %shift_right_logical3A : i32 to vector<16xi32>
        %shift_right_logical3A_388 = arith.shrui %gather3A, %shift_right_logical3A_387 : vector<16xi32>
        %shift_left3A = arith.constant 7 : i32
        %shift_left3A_389 = vector.broadcast %shift_left3A : i32 to vector<16xi32>
        %shift_left3A_390 = arith.shli %shift_right_logical3A_388, %shift_left3A_389 : vector<16xi32>
        %reduce_max3A = arith.constant true
        %reduce_max3A_391 = vector.broadcast %reduce_max3A : i1 to vector<16xi1>
        %reduce_max3A_392 = arith.constant -2147483648 : i32
        %reduce_max3A_393 = vector.broadcast %reduce_max3A_392 : i32 to vector<16xi32>
        %reduce_max3A_394 = arith.xori %shift_left3A_390, %reduce_max3A_393 : vector<16xi32>
        %reduce_max3A_395 = tpu.scan <max>, %reduce_max3A_394 masked %reduce_max3A_391 : vector<16xi32>, vector<16xi1> -> vector<16xi32>
        %reduce_max3A_396 = arith.xori %reduce_max3A_395, %reduce_max3A_393 : vector<16xi32>
        %reduce_max3A_397 = vector.extract %reduce_max3A_396[15] : i32 from vector<16xi32>
        %multiple_of3A = tpu.assume_multiple %reduce_max3A_397, 128 : i32
        %dma_start3A_398 = arith.constant 0 : i32
        %dma_start3A_399 = tpu.memref_slice %arg7[%dma_start3A_398, %multiple_of3A] : memref<16x1000000xf32, #tpu.memory_space<hbm>> -> memref<16x128xf32, #tpu.memory_space<hbm>>
        %dma_start3A_400 = arith.constant 0 : i32
        %dma_start3A_401 = tpu.memref_slice %arg7[%dma_start3A_400, %multiple_of3A] : memref<16x1000000xf32, #tpu.memory_space<hbm>> -> memref<16x128xf32, #tpu.memory_space<hbm>>
        tpu.enqueue_dma source(%dma_start3A_401 : memref<16x128xf32, #tpu.memory_space<hbm>>) target(%arg33 : memref<16x128xf32, #tpu.memory_space<vmem>>) target_semaphore(%arg55 : memref<!tpu.dma_semaphore, #tpu.memory_space<semaphore_mem>>)
      } else {
      }
      %scan3A_380 = arith.constant 0 : i32
      scf.yield %scan3A_380 : i32
    }
    %scan3A_12 = arith.constant 33 : i32
    %dma_wait3A = arith.constant 0 : i32
    %dma_wait3A_13 = tpu.memref_slice %arg5[%dma_wait3A] : memref<1000000xf32, #tpu.memory_space<hbm>> -> memref<1000000xf32, #tpu.memory_space<hbm>>
    tpu.wait_indirect_dma semaphore(%arg56 : memref<!tpu.dma_semaphore, #tpu.memory_space<semaphore_mem>>) src(%dma_wait3A_13 : memref<1000000xf32, #tpu.memory_space<hbm>>) dst(%arg38 : memref<128xf32, #tpu.memory_space<vmem>>)
    %dma_wait3A_14 = arith.constant 0 : i32
    %dma_wait3A_15 = tpu.memref_slice %arg5[%dma_wait3A_14] : memref<1000000xf32, #tpu.memory_space<hbm>> -> memref<1000000xf32, #tpu.memory_space<hbm>>
    tpu.wait_indirect_dma semaphore(%arg56 : memref<!tpu.dma_semaphore, #tpu.memory_space<semaphore_mem>>) src(%dma_wait3A_15 : memref<1000000xf32, #tpu.memory_space<hbm>>) dst(%arg39 : memref<128xf32, #tpu.memory_space<vmem>>)
    "tpu.region"() ({
      %run_scoped3A = tpu.sem_alloc : memref<!tpu.dma_semaphore, #tpu.memory_space<semaphore_mem>>
      %dma_start3A_16 = arith.constant 0 : i32
      %dma_start3A_17 = tpu.memref_slice %arg9[%dma_start3A_16, %mul3A_2] : memref<16x4096xf32, #tpu.memory_space<hbm>> -> memref<16x128xf32, #tpu.memory_space<hbm>>
      %dma_start3A_18 = arith.constant 0 : i32
      %dma_start3A_19 = tpu.memref_slice %arg9[%dma_start3A_18, %mul3A_2] : memref<16x4096xf32, #tpu.memory_space<hbm>> -> memref<16x128xf32, #tpu.memory_space<hbm>>
      tpu.enqueue_dma source(%arg34 : memref<16x128xf32, #tpu.memory_space<vmem>>) target(%dma_start3A_19 : memref<16x128xf32, #tpu.memory_space<hbm>>) target_semaphore(%run_scoped3A : memref<!tpu.dma_semaphore, #tpu.memory_space<semaphore_mem>>)
      %dma_wait3A_20 = arith.constant 0 : i32
      %dma_wait3A_21 = tpu.memref_slice %arg9[%dma_wait3A_20, %mul3A_2] : memref<16x4096xf32, #tpu.memory_space<hbm>> -> memref<16x128xf32, #tpu.memory_space<hbm>>
      %dma_wait3A_22 = arith.constant 0 : i32
      %dma_wait3A_23 = tpu.memref_slice %arg9[%dma_wait3A_22, %mul3A_2] : memref<16x4096xf32, #tpu.memory_space<hbm>> -> memref<16x128xf32, #tpu.memory_space<hbm>>
      tpu.wait_dma2 semaphore(%run_scoped3A : memref<!tpu.dma_semaphore, #tpu.memory_space<semaphore_mem>>) src(%arg34 : memref<16x128xf32, #tpu.memory_space<vmem>>) dst(%dma_wait3A_23 : memref<16x128xf32, #tpu.memory_space<hbm>>)
      tpu.yield
    }) : () -> ()
    "tpu.region"() ({
      %run_scoped3A = tpu.sem_alloc : memref<!tpu.dma_semaphore, #tpu.memory_space<semaphore_mem>>
      %dma_start3A_16 = arith.constant 0 : i32
      %dma_start3A_17 = tpu.memref_slice %arg10[%dma_start3A_16, %mul3A_2] : memref<16x4096xf32, #tpu.memory_space<hbm>> -> memref<16x128xf32, #tpu.memory_space<hbm>>
      %dma_start3A_18 = arith.constant 0 : i32
      %dma_start3A_19 = tpu.memref_slice %arg10[%dma_start3A_18, %mul3A_2] : memref<16x4096xf32, #tpu.memory_space<hbm>> -> memref<16x128xf32, #tpu.memory_space<hbm>>
      tpu.enqueue_dma source(%arg35 : memref<16x128xf32, #tpu.memory_space<vmem>>) target(%dma_start3A_19 : memref<16x128xf32, #tpu.memory_space<hbm>>) target_semaphore(%run_scoped3A : memref<!tpu.dma_semaphore, #tpu.memory_space<semaphore_mem>>)
      %dma_wait3A_20 = arith.constant 0 : i32
      %dma_wait3A_21 = tpu.memref_slice %arg10[%dma_wait3A_20, %mul3A_2] : memref<16x4096xf32, #tpu.memory_space<hbm>> -> memref<16x128xf32, #tpu.memory_space<hbm>>
      %dma_wait3A_22 = arith.constant 0 : i32
      %dma_wait3A_23 = tpu.memref_slice %arg10[%dma_wait3A_22, %mul3A_2] : memref<16x4096xf32, #tpu.memory_space<hbm>> -> memref<16x128xf32, #tpu.memory_space<hbm>>
      tpu.wait_dma2 semaphore(%run_scoped3A : memref<!tpu.dma_semaphore, #tpu.memory_space<semaphore_mem>>) src(%arg35 : memref<16x128xf32, #tpu.memory_space<vmem>>) dst(%dma_wait3A_23 : memref<16x128xf32, #tpu.memory_space<hbm>>)
      tpu.yield
    }) : () -> ()
    "tpu.region"() ({
      %run_scoped3A = tpu.sem_alloc : memref<!tpu.dma_semaphore, #tpu.memory_space<semaphore_mem>>
      %dma_start3A_16 = arith.constant 0 : i32
      %dma_start3A_17 = tpu.memref_slice %arg11[%dma_start3A_16, %mul3A_2] : memref<16x4096xf32, #tpu.memory_space<hbm>> -> memref<16x128xf32, #tpu.memory_space<hbm>>
      %dma_start3A_18 = arith.constant 0 : i32
      %dma_start3A_19 = tpu.memref_slice %arg11[%dma_start3A_18, %mul3A_2] : memref<16x4096xf32, #tpu.memory_space<hbm>> -> memref<16x128xf32, #tpu.memory_space<hbm>>
      tpu.enqueue_dma source(%arg36 : memref<16x128xf32, #tpu.memory_space<vmem>>) target(%dma_start3A_19 : memref<16x128xf32, #tpu.memory_space<hbm>>) target_semaphore(%run_scoped3A : memref<!tpu.dma_semaphore, #tpu.memory_space<semaphore_mem>>)
      %dma_wait3A_20 = arith.constant 0 : i32
      %dma_wait3A_21 = tpu.memref_slice %arg11[%dma_wait3A_20, %mul3A_2] : memref<16x4096xf32, #tpu.memory_space<hbm>> -> memref<16x128xf32, #tpu.memory_space<hbm>>
      %dma_wait3A_22 = arith.constant 0 : i32
      %dma_wait3A_23 = tpu.memref_slice %arg11[%dma_wait3A_22, %mul3A_2] : memref<16x4096xf32, #tpu.memory_space<hbm>> -> memref<16x128xf32, #tpu.memory_space<hbm>>
      tpu.wait_dma2 semaphore(%run_scoped3A : memref<!tpu.dma_semaphore, #tpu.memory_space<semaphore_mem>>) src(%arg36 : memref<16x128xf32, #tpu.memory_space<vmem>>) dst(%dma_wait3A_23 : memref<16x128xf32, #tpu.memory_space<hbm>>)
      tpu.yield
    }) : () -> ()
    "tpu.region"() ({
      %run_scoped3A = tpu.sem_alloc : memref<!tpu.dma_semaphore, #tpu.memory_space<semaphore_mem>>
      %dma_start3A_16 = arith.constant 0 : i32
      %dma_start3A_17 = tpu.memref_slice %arg12[%dma_start3A_16, %mul3A_2] : memref<16x4096xf32, #tpu.memory_space<hbm>> -> memref<16x128xf32, #tpu.memory_space<hbm>>
      %dma_start3A_18 = arith.constant 0 : i32
      %dma_start3A_19 = tpu.memref_slice %arg12[%dma_start3A_18, %mul3A_2] : memref<16x4096xf32, #tpu.memory_space<hbm>> -> memref<16x128xf32, #tpu.memory_space<hbm>>
      tpu.enqueue_dma source(%arg37 : memref<16x128xf32, #tpu.memory_space<vmem>>) target(%dma_start3A_19 : memref<16x128xf32, #tpu.memory_space<hbm>>) target_semaphore(%run_scoped3A : memref<!tpu.dma_semaphore, #tpu.memory_space<semaphore_mem>>)
      %dma_wait3A_20 = arith.constant 0 : i32
      %dma_wait3A_21 = tpu.memref_slice %arg12[%dma_wait3A_20, %mul3A_2] : memref<16x4096xf32, #tpu.memory_space<hbm>> -> memref<16x128xf32, #tpu.memory_space<hbm>>
      %dma_wait3A_22 = arith.constant 0 : i32
      %dma_wait3A_23 = tpu.memref_slice %arg12[%dma_wait3A_22, %mul3A_2] : memref<16x4096xf32, #tpu.memory_space<hbm>> -> memref<16x128xf32, #tpu.memory_space<hbm>>
      tpu.wait_dma2 semaphore(%run_scoped3A : memref<!tpu.dma_semaphore, #tpu.memory_space<semaphore_mem>>) src(%arg37 : memref<16x128xf32, #tpu.memory_space<vmem>>) dst(%dma_wait3A_23 : memref<16x128xf32, #tpu.memory_space<hbm>>)
      tpu.yield
    }) : () -> ()
    "tpu.region"() ({
      %run_scoped3A = tpu.sem_alloc : memref<!tpu.dma_semaphore, #tpu.memory_space<semaphore_mem>>
      %dma_start3A_16 = tpu.memref_slice %arg13[%mul3A_2] : memref<4096xf32, #tpu.memory_space<hbm>> -> memref<128xf32, #tpu.memory_space<hbm>>
      %dma_start3A_17 = tpu.memref_slice %arg13[%mul3A_2] : memref<4096xf32, #tpu.memory_space<hbm>> -> memref<128xf32, #tpu.memory_space<hbm>>
      tpu.enqueue_dma source(%arg38 : memref<128xf32, #tpu.memory_space<vmem>>) target(%dma_start3A_17 : memref<128xf32, #tpu.memory_space<hbm>>) target_semaphore(%run_scoped3A : memref<!tpu.dma_semaphore, #tpu.memory_space<semaphore_mem>>)
      %dma_wait3A_18 = tpu.memref_slice %arg13[%mul3A_2] : memref<4096xf32, #tpu.memory_space<hbm>> -> memref<128xf32, #tpu.memory_space<hbm>>
      %dma_wait3A_19 = tpu.memref_slice %arg13[%mul3A_2] : memref<4096xf32, #tpu.memory_space<hbm>> -> memref<128xf32, #tpu.memory_space<hbm>>
      tpu.wait_dma2 semaphore(%run_scoped3A : memref<!tpu.dma_semaphore, #tpu.memory_space<semaphore_mem>>) src(%arg38 : memref<128xf32, #tpu.memory_space<vmem>>) dst(%dma_wait3A_19 : memref<128xf32, #tpu.memory_space<hbm>>)
      tpu.yield
    }) : () -> ()
    "tpu.region"() ({
      %run_scoped3A = tpu.sem_alloc : memref<!tpu.dma_semaphore, #tpu.memory_space<semaphore_mem>>
      %dma_start3A_16 = tpu.memref_slice %arg14[%mul3A_2] : memref<4096xf32, #tpu.memory_space<hbm>> -> memref<128xf32, #tpu.memory_space<hbm>>
      %dma_start3A_17 = tpu.memref_slice %arg14[%mul3A_2] : memref<4096xf32, #tpu.memory_space<hbm>> -> memref<128xf32, #tpu.memory_space<hbm>>
      tpu.enqueue_dma source(%arg39 : memref<128xf32, #tpu.memory_space<vmem>>) target(%dma_start3A_17 : memref<128xf32, #tpu.memory_space<hbm>>) target_semaphore(%run_scoped3A : memref<!tpu.dma_semaphore, #tpu.memory_space<semaphore_mem>>)
      %dma_wait3A_18 = tpu.memref_slice %arg14[%mul3A_2] : memref<4096xf32, #tpu.memory_space<hbm>> -> memref<128xf32, #tpu.memory_space<hbm>>
      %dma_wait3A_19 = tpu.memref_slice %arg14[%mul3A_2] : memref<4096xf32, #tpu.memory_space<hbm>> -> memref<128xf32, #tpu.memory_space<hbm>>
      tpu.wait_dma2 semaphore(%run_scoped3A : memref<!tpu.dma_semaphore, #tpu.memory_space<semaphore_mem>>) src(%arg39 : memref<128xf32, #tpu.memory_space<vmem>>) dst(%dma_wait3A_19 : memref<128xf32, #tpu.memory_space<hbm>>)
      tpu.yield
    }) : () -> ()
    return
  }
}

module attributes {stable_mosaic.version = 14 : i64} {
  func.func @_t2_body(%arg0: memref<16x4096xf32, #tpu.memory_space<vmem>>, %arg1: memref<16x4096xf32, #tpu.memory_space<vmem>>, %arg2: memref<16x4096xf32, #tpu.memory_space<vmem>>, %arg3: memref<16x4096xf32, #tpu.memory_space<vmem>>, %arg4: memref<16x4096xf32, #tpu.memory_space<vmem>>, %arg5: memref<1x4096xf32, #tpu.memory_space<vmem>>, %arg6: memref<1x4096xf32, #tpu.memory_space<vmem>>, %arg7: memref<1x4096xf32, #tpu.memory_space<vmem>>) attributes {dimension_semantics = [], scalar_prefetch = 0 : i64, scratch_operands = 0 : i64, tpu.core_type = #tpu.core_type<tc>} {
    %get3A = arith.constant 0 : index
    %get3A_0 = arith.constant 0 : index
    %get3A_1 = vector.load %arg5[%get3A, %get3A_0] : memref<1x4096xf32, #tpu.memory_space<vmem>>, vector<1x4096xf32>
    %get3A_2 = arith.constant 0 : index
    %get3A_3 = arith.constant 0 : index
    %get3A_4 = vector.load %arg6[%get3A_2, %get3A_3] : memref<1x4096xf32, #tpu.memory_space<vmem>>, vector<1x4096xf32>
    %sub3A = arith.subf %get3A_1, %get3A_4 : vector<1x4096xf32>
    %get3A_5 = arith.constant 0 : index
    %get3A_6 = arith.constant 0 : index
    %get3A_7 = vector.load %arg0[%get3A_5, %get3A_6] : memref<16x4096xf32, #tpu.memory_space<vmem>>, vector<16x4096xf32>
    %get3A_8 = arith.constant 0 : index
    %get3A_9 = arith.constant 0 : index
    %get3A_10 = vector.load %arg2[%get3A_8, %get3A_9] : memref<16x4096xf32, #tpu.memory_space<vmem>>, vector<16x4096xf32>
    %get3A_11 = arith.constant 0 : index
    %get3A_12 = arith.constant 0 : index
    %get3A_13 = vector.load %arg3[%get3A_11, %get3A_12] : memref<16x4096xf32, #tpu.memory_space<vmem>>, vector<16x4096xf32>
    %sub3A_14 = arith.subf %get3A_10, %get3A_13 : vector<16x4096xf32>
    %mul3A = arith.mulf %get3A_7, %sub3A_14 : vector<16x4096xf32>
    %reduce_sum3A = arith.constant dense<0.000000e+00> : vector<4096xf32>
    %reduce_sum3A_15 = vector.multi_reduction <add>, %mul3A, %reduce_sum3A [0] : vector<16x4096xf32> to vector<4096xf32>
    %broadcast_in_dim3A = vector.shape_cast %reduce_sum3A_15 : vector<4096xf32> to vector<1x4096xf32>
    %add3A = arith.addf %sub3A, %broadcast_in_dim3A : vector<1x4096xf32>
    %get3A_16 = arith.constant 0 : index
    %get3A_17 = arith.constant 0 : index
    %get3A_18 = vector.load %arg1[%get3A_16, %get3A_17] : memref<16x4096xf32, #tpu.memory_space<vmem>>, vector<16x4096xf32>
    %get3A_19 = arith.constant 0 : index
    %get3A_20 = arith.constant 0 : index
    %get3A_21 = vector.load %arg4[%get3A_19, %get3A_20] : memref<16x4096xf32, #tpu.memory_space<vmem>>, vector<16x4096xf32>
    %mul3A_22 = arith.mulf %get3A_18, %get3A_21 : vector<16x4096xf32>
    %reduce_sum3A_23 = arith.constant dense<0.000000e+00> : vector<4096xf32>
    %reduce_sum3A_24 = vector.multi_reduction <add>, %mul3A_22, %reduce_sum3A_23 [0] : vector<16x4096xf32> to vector<4096xf32>
    %broadcast_in_dim3A_25 = vector.shape_cast %reduce_sum3A_24 : vector<4096xf32> to vector<1x4096xf32>
    %add3A_26 = arith.addf %add3A, %broadcast_in_dim3A_25 : vector<1x4096xf32>
    %swap3A = arith.constant 0 : index
    %swap3A_27 = arith.constant 0 : index
    %swap3A_28 = vector.load %arg7[%swap3A, %swap3A_27] : memref<1x4096xf32, #tpu.memory_space<vmem>>, vector<1x4096xf32>
    tpu.vector_store %arg7[%swap3A, %swap3A_27], %add3A_26 {strides = array<i32>} : memref<1x4096xf32, #tpu.memory_space<vmem>>, vector<1x4096xf32>,
    return
  }
}

module attributes {stable_mosaic.version = 14 : i64} {
  func.func @_t1_body(%arg0: i32, %arg1: memref<512x512xf32, #tpu.memory_space<vmem>>, %arg2: memref<512x512xf32, #tpu.memory_space<vmem>>, %arg3: memref<16x512xf32, #tpu.memory_space<vmem>>, %arg4: memref<512x1xf32, #tpu.memory_space<vmem>>, %arg5: memref<16x512xf32, #tpu.memory_space<vmem>>, %arg6: memref<512x1xf32, #tpu.memory_space<vmem>>) attributes {dimension_semantics = [#tpu.dimension_semantics<arbitrary>], iteration_bounds = array<i64: 8>, scalar_prefetch = 0 : i64, scratch_operands = 0 : i64, tpu.core_type = #tpu.core_type<tc>, window_params = [{transform_indices = @transform_0, window_bounds = array<i64: 512, 512>}, {transform_indices = @transform_1, window_bounds = array<i64: 512, 512>}, {pipeline_mode = #tpu.pipeline_mode<synchronous>, transform_indices = @transform_2, window_bounds = array<i64: 16, 512>}, {pipeline_mode = #tpu.pipeline_mode<synchronous>, transform_indices = @transform_3, window_bounds = array<i64: 512, 1>}, {transform_indices = @transform_4, window_bounds = array<i64: 16, 512>}, {transform_indices = @transform_5, window_bounds = array<i64: 512, 1>}]} {
    %get3A = arith.constant 0 : index
    %get3A_0 = arith.constant 0 : index
    %get3A_1 = vector.load %arg1[%get3A, %get3A_0] : memref<512x512xf32, #tpu.memory_space<vmem>>, vector<512x512xf32>
    %get3A_2 = arith.constant 0 : index
    %get3A_3 = arith.constant 0 : index
    %get3A_4 = vector.load %arg2[%get3A_2, %get3A_3] : memref<512x512xf32, #tpu.memory_space<vmem>>, vector<512x512xf32>
    %sub3A = arith.subf %get3A_1, %get3A_4 : vector<512x512xf32>
    %get3A_5 = arith.constant 0 : index
    %get3A_6 = arith.constant 0 : index
    %get3A_7 = vector.load %arg3[%get3A_5, %get3A_6] : memref<16x512xf32, #tpu.memory_space<vmem>>, vector<16x512xf32>
    %dot_general3A = arith.constant dense<0.000000e+00> : vector<16x512xf32>
    %dot_general3A_8 = tpu.matmul %get3A_7, %sub3A, %dot_general3A {dimension_numbers = #tpu.dot_dimension_numbers<[1], [1], [0], [0], [0, 0, 1, 0], [], []>, precision = #tpu.contract_precision<fp32>, transpose_lhs_hint = false} : vector<16x512xf32>, vector<512x512xf32>, vector<16x512xf32> -> vector<16x512xf32>
    %swap3A = arith.constant 0 : index
    %swap3A_9 = arith.constant 0 : index
    %swap3A_10 = vector.load %arg5[%swap3A, %swap3A_9] : memref<16x512xf32, #tpu.memory_space<vmem>>, vector<16x512xf32>
    tpu.vector_store %arg5[%swap3A, %swap3A_9], %dot_general3A_8 {strides = array<i32>} : memref<16x512xf32, #tpu.memory_space<vmem>>, vector<16x512xf32>,
    %get3A_11 = arith.constant 0 : index
    %get3A_12 = arith.constant 0 : index
    %get3A_13 = vector.load %arg4[%get3A_11, %get3A_12] : memref<512x1xf32, #tpu.memory_space<vmem>>, vector<512x1xf32>
    %dot_general3A_14 = arith.constant dense<0.000000e+00> : vector<512x1xf32>
    %dot_general3A_15 = tpu.matmul %sub3A, %get3A_13, %dot_general3A_14 {dimension_numbers = #tpu.dot_dimension_numbers<[1], [0], [0], [1], [0, 0, 1, 1], [], []>, precision = #tpu.contract_precision<fp32>, transpose_lhs_hint = false} : vector<512x512xf32>, vector<512x1xf32>, vector<512x1xf32> -> vector<512x1xf32>
    %swap3A_16 = arith.constant 0 : index
    %swap3A_17 = arith.constant 0 : index
    %swap3A_18 = vector.load %arg6[%swap3A_16, %swap3A_17] : memref<512x1xf32, #tpu.memory_space<vmem>>, vector<512x1xf32>
    tpu.vector_store %arg6[%swap3A_16, %swap3A_17], %dot_general3A_15 {strides = array<i32>} : memref<512x1xf32, #tpu.memory_space<vmem>>, vector<512x1xf32>,
    return
  }
  func.func @transform_0(%arg0: i32) -> (i32, i32) {
    %c0_i32 = arith.constant 0 : i32
    %c0_i32_0 = arith.constant 0 : i32
    return %arg0, %c0_i32 : i32, i32
  }
  func.func @transform_1(%arg0: i32) -> (i32, i32) {
    %c0_i32 = arith.constant 0 : i32
    %c0_i32_0 = arith.constant 0 : i32
    return %arg0, %c0_i32 : i32, i32
  }
  func.func @transform_2(%arg0: i32) -> (i32, i32) {
    %c0_i32 = arith.constant 0 : i32
    %c0_i32_0 = arith.constant 0 : i32
    %c0_i32_1 = arith.constant 0 : i32
    return %c0_i32, %c0_i32_0 : i32, i32
  }
  func.func @transform_3(%arg0: i32) -> (i32, i32) {
    %c0_i32 = arith.constant 0 : i32
    %c0_i32_0 = arith.constant 0 : i32
    %c0_i32_1 = arith.constant 0 : i32
    return %c0_i32, %c0_i32_0 : i32, i32
  }
  func.func @transform_4(%arg0: i32) -> (i32, i32) {
    %c0_i32 = arith.constant 0 : i32
    %c0_i32_0 = arith.constant 0 : i32
    return %c0_i32, %arg0 : i32, i32
  }
  func.func @transform_5(%arg0: i32) -> (i32, i32) {
    %c0_i32 = arith.constant 0 : i32
    %c0_i32_0 = arith.constant 0 : i32
    return %arg0, %c0_i32 : i32, i32
  }
}

module attributes {stable_mosaic.version = 14 : i64} {
  func.func @_xuij_body(%arg0: i32, %arg1: memref<256x1xf32, #tpu.memory_space<vmem>>, %arg2: memref<1x4096xf32, #tpu.memory_space<vmem>>, %arg3: memref<256x4096xf32, #tpu.memory_space<vmem>>) attributes {dimension_semantics = [#tpu.dimension_semantics<arbitrary>], iteration_bounds = array<i64: 16>, scalar_prefetch = 0 : i64, scratch_operands = 0 : i64, tpu.core_type = #tpu.core_type<tc>, window_params = [{transform_indices = @transform_0, window_bounds = array<i64: 256, 1>}, {pipeline_mode = #tpu.pipeline_mode<synchronous>, transform_indices = @transform_1, window_bounds = array<i64: 1, 4096>}, {transform_indices = @transform_2, window_bounds = array<i64: 256, 4096>}]} {
    %get3A = arith.constant 0 : index
    %get3A_0 = arith.constant 0 : index
    %get3A_1 = vector.load %arg1[%get3A, %get3A_0] : memref<256x1xf32, #tpu.memory_space<vmem>>, vector<256x1xf32>
    %get3A_2 = arith.constant 0 : index
    %get3A_3 = arith.constant 0 : index
    %get3A_4 = vector.load %arg2[%get3A_2, %get3A_3] : memref<1x4096xf32, #tpu.memory_space<vmem>>, vector<1x4096xf32>
    %add3A = vector.broadcast %get3A_1 : vector<256x1xf32> to vector<256x4096xf32>
    %add3A_5 = vector.broadcast %get3A_4 : vector<1x4096xf32> to vector<256x4096xf32>
    %add3A_6 = arith.addf %add3A, %add3A_5 : vector<256x4096xf32>
    %swap3A = arith.constant 0 : index
    %swap3A_7 = arith.constant 0 : index
    %swap3A_8 = vector.load %arg3[%swap3A, %swap3A_7] : memref<256x4096xf32, #tpu.memory_space<vmem>>, vector<256x4096xf32>
    tpu.vector_store %arg3[%swap3A, %swap3A_7], %add3A_6 {strides = array<i32>} : memref<256x4096xf32, #tpu.memory_space<vmem>>, vector<256x4096xf32>,
    return
  }
  func.func @transform_0(%arg0: i32) -> (i32, i32) {
    %c0_i32 = arith.constant 0 : i32
    %c0_i32_0 = arith.constant 0 : i32
    return %arg0, %c0_i32 : i32, i32
  }
  func.func @transform_1(%arg0: i32) -> (i32, i32) {
    %c0_i32 = arith.constant 0 : i32
    %c0_i32_0 = arith.constant 0 : i32
    %c0_i32_1 = arith.constant 0 : i32
    return %c0_i32, %c0_i32_0 : i32, i32
  }
  func.func @transform_2(%arg0: i32) -> (i32, i32) {
    %c0_i32 = arith.constant 0 : i32
    %c0_i32_0 = arith.constant 0 : i32
    return %arg0, %c0_i32 : i32, i32
  }
}

</mosaic_0001>

<sc_bundles>
// kernel: kernel.6.cloned.1.call-start
scs
__scs_entry_jumppad:
0x0: {  	(pc) =	sbr.rel $0x88, $3  }
0x1: {  	(tag) =	ssettag $0x0;
	lr =	simm.s32 $0x1  }
0x2: {  	[smem:$0x3F96] =	sst lr;
	_ =	strace $0xD0000000  }
0x3: {  	_ = 	snop  }
0x4: {  	_ = 	snop  }
0x5: {  	_ = 	snop  }
0x6: {  	_ = 	snop  }
0x7: {  	_ = 	snop  }
__scs_overlays_trampoline_lowered:
0x8: {  	[smem:$0x3FA5] =	sst s0  }
0x9: {  	[smem:$0x3FA6] =	sst s1  }
0xa: {  	[smem:$0x3FA7] =	sst s2  }
0xb: {  	[smem:$0x3FA8] =	sst s3  }
0xc: {  	[smem:$0x3FA9] =	sst s4  }
0xd: {  	[smem:$0x3FAA] =	sst s5  }
0xe: {  	[smem:$0x3FAB] =	sst s6  }
0xf: {  	[smem:$0x3FAC] =	sst s7  }
0x10: {  	[smem:$0x3FAD] =	sst s8  }
0x11: {  	[smem:$0x3FAE] =	sst s9;
	s0 =	simm.s32 @!p0 $0x0  }
0x12: {  	s1 =	sld [smem:$0x3F94];
	s0 =	simm.s32 @p0 $0x1  }
0x13: {  	[smem:$0x3FAF] =	sst s0;
	s0 =	simm.s32 @!p1 $0x0  }
0x14: {  	s2 =	sld [smem:$0x3F93];
	s0 =	simm.s32 @p1 $0x1  }
0x15: {  	[smem:$0x3FB0] =	sst s0;
	s0 =	simm.s32 @!p2 $0x0  }
0x16: {  	s3 =	sld [smem:$0x3FDB];
	s0 =	simm.s32 @p2 $0x1  }
0x17: {  	s4 =	simm.s32 $0x1BF5;
	[smem:$0x3FB2] =	sst s0  }
0x18: {  	s0 =	sld [smem:$0x3F95];
	_ =	swait.ge [sflag:s4], $0x0  }
0x19: {  	s7 =	sld [smem:$0x3F96]  }
0x1a: {  	s8 =	sadd.s32 $0xFFFFE003, lr  }
0x1b: {  	s9 =	sadd.s32 $0xFFFFFEF7, lr;
	s5 =	simm.s32 $0xFFFFFFFF;
	p2 =	slt.u32 s8, $0xFFFFF086  }
0x1c: {  	p1 =	slt.u32 s9, $0xF7A;
	s5 =	simm.s32 @!p2 $0x0  }
0x1d: {  	s5 =	simm.s32 @p1 $0x1;
	p0 =	seq.s32 s7, s2  }
0x1e: {  	s7 =	smul.u32 @!p0 $0xF7A, s2;
	p2 =	seq.s32 @!p0 s5, $0x0  }
0x1f: {  	s9 =	smul.u32 $0xF7A, s1;
	s8 =	simm.s32 @!p0 $0x1BF5;
	p2 =	por !p2, p0  }
0x20: {  	[sflag:s8] =	ssyncset.s32 @!p0 $0xFFFFF086;
	s6 =	sadd.s32 @!p0 s3, s7;
	s7 =	simm.s32 @!p0 $0x108  }
0x21: {  	s3 =	sadd.s32 s3, s9;
	s6 =	sadd.s32 @!p0 $0x88, s6;
	s7 =	simm.s32 @p2 $0x1082  }
0x22: {  	[simem:s7], [sflag:s8] =	dma.local @!p0 [hbm:s6], $0xF7A  }
0x23: {  	s9 =	sor.u32 $0xD0000000, s2;
	s6 =	simm.s32 $0x108;
	_ =	swait.ge @!p0 [sflag:s8], $0x0  }
0x24: {  	s3 =	sadd.s32 $0x88, s3;
	s6 =	simm.s32 @!p1 $0x1082;
	[sflag:s4] =	ssyncset.s32 $0xFFFFF086  }
0x25: {  	[simem:s6], [sflag:s4] =	dma.local [hbm:s3], $0xF7A  }
0x26: {  	[smem:$0x3F96] =	sst s1;
	(tag) =	ssettag s2;
	_ =	strace s9  }
0x27: {  	s1 =	sld [smem:$0x3FA6]  }
0x28: {  	s2 =	sld [smem:$0x3FA7]  }
0x29: {  	s4 =	sld [smem:$0x3FA9]  }
0x2a: {  	p0 =	seq.s32 s5, $0x0;
	s5 =	sld [smem:$0x3FAA]  }
0x2b: {  	s6 =	sld [smem:$0x3FAB]  }
0x2c: {  	s7 =	sld [smem:$0x3FAC]  }
0x2d: {  	s3 =	simm.s32 $0x108;
	s8 =	sld [smem:$0x3FAD]  }
0x2e: {  	s3 =	simm.s32 @!p0 $0x1082;
	s9 =	sld [smem:$0x3FAE]  }
0x2f: {  	lr =	sadd.s32 s0, s3;
	s0 =	sld [smem:$0x3FA5]  }
0x30: {  	s3 =	sld [smem:$0x3FA8]  }
0x31: {  	[smem:$0x3FB1] =	sst s10  }
0x32: {  	s10 =	sld [smem:$0x3FAF];
	_ =	sdelay $0x3  }
0x33: {  	p0 =	seq.s32 s10, $0x1;
	s10 =	sld [smem:$0x3FB1];
	_ =	sdelay $0x3  }
0x34: {  	[smem:$0x3FB1] =	sst s10  }
0x35: {  	s10 =	sld [smem:$0x3FB0];
	_ =	sdelay $0x3  }
0x36: {  	p1 =	seq.s32 s10, $0x1;
	s10 =	sld [smem:$0x3FB1];
	_ =	sdelay $0x3  }
0x37: {  	[smem:$0x3FB1] =	sst s10  }
0x38: {  	s10 =	sld [smem:$0x3FB2]  }
0x39: {  	_ = 	snop;
	(pc) =	sbr.ind lr, $3  }
0x3a: {  	_ = 	snop  }
0x3b: {  	_ = 	snop  }
0x3c: {  	p2 =	seq.s32 s10, $0x1;
	s10 =	sld [smem:$0x3FB1]  }
0x3d: {  	_ =	shalt  }
0x3e: {  	_ =	shalt  }
0x3f: {  	_ =	shalt  }
0x40: {  	_ =	shalt  }
0x41: {  	_ =	shalt  }
0x42: {  	_ =	shalt  }
0x43: {  	_ =	shalt  }
0x44: {  	_ =	shalt  }
0x45: {  	_ =	shalt  }
0x46: {  	_ =	shalt  }
0x47: {  	_ =	shalt  }
0x48: {  	_ =	shalt  }
0x49: {  	_ =	shalt  }
0x4a: {  	_ =	shalt  }
0x4b: {  	_ =	shalt  }
0x4c: {  	_ =	shalt  }
0x4d: {  	_ =	shalt  }
0x4e: {  	_ =	shalt  }
0x4f: {  	_ =	shalt  }
0x50: {  	_ =	shalt  }
0x51: {  	_ =	shalt  }
0x52: {  	_ =	shalt  }
0x53: {  	_ =	shalt  }
0x54: {  	_ =	shalt  }
0x55: {  	_ =	shalt  }
0x56: {  	_ =	shalt  }
0x57: {  	_ =	shalt  }
0x58: {  	_ =	shalt  }
0x59: {  	_ =	shalt  }
0x5a: {  	_ =	shalt  }
0x5b: {  	_ =	shalt  }
0x5c: {  	_ =	shalt  }
0x5d: {  	_ =	shalt  }
0x5e: {  	_ =	shalt  }
0x5f: {  	_ =	shalt  }
0x60: {  	_ =	shalt  }
0x61: {  	_ =	shalt  }
0x62: {  	_ =	shalt  }
0x63: {  	_ =	shalt  }
0x64: {  	_ =	shalt  }
0x65: {  	_ =	shalt  }
0x66: {  	_ =	shalt  }
0x67: {  	_ =	shalt  }
0x68: {  	_ =	shalt  }
0x69: {  	_ =	shalt  }
0x6a: {  	_ =	shalt  }
0x6b: {  	_ =	shalt  }
0x6c: {  	_ =	shalt  }
0x6d: {  	_ =	shalt  }
0x6e: {  	_ =	shalt  }
0x6f: {  	_ =	shalt  }
0x70: {  	_ =	shalt  }
0x71: {  	_ =	shalt  }
0x72: {  	_ =	shalt  }
0x73: {  	_ =	shalt  }
0x74: {  	_ =	shalt  }
0x75: {  	_ =	shalt  }
0x76: {  	_ =	shalt  }
0x77: {  	_ =	shalt  }
0x78: {  	_ =	shalt  }
0x79: {  	_ =	shalt  }
0x7a: {  	_ =	shalt  }
0x7b: {  	_ =	shalt  }
0x7c: {  	_ =	shalt  }
0x7d: {  	_ =	shalt  }
0x7e: {  	_ =	shalt  }
0x7f: {  	_ =	shalt  }
0x80: {  	_ =	shalt  }
0x81: {  	_ =	shalt  }
0x82: {  	_ =	shalt  }
0x83: {  	_ =	shalt  }
0x84: {  	_ =	shalt  }
0x85: {  	_ =	shalt  }
0x86: {  	_ =	shalt  }
0x87: {  	_ =	shalt  }
.Lfunc_end0:
.L_simem_size_0:
called_computation_lowered:
.L_overlay_start_0:
0x88: {  	s2 =	sld [smem:$0x3FD9]  }
0x89: {  	s3 =	sld [smem:$0x3FFE];
	_ =	sdelay $0x1  }
0x8a: {  	s1 =	srdreg.scid  }
0x8b: {  	s0 =	sand.u32 $0x1, s1  }
0x8c: {  	s28 =	sshll.u32 s0, $0xA;
	s2 =	sadd.s32 s3, s2  }
0x8d: {  	s2 =	sadd.s32 s2, s28  }
0x8e: {  	[smem:$0x3FBD] =	sst s2  }
0x8f: {  	_ = 	snop  }
0x90: {  	s2 =	sld [smem:$0x3FC9]  }
0x91: {  	s3 =	sld [smem:$0x3FC8]  }
0x92: {  	s4 =	sld [smem:$0x3FC7]  }
0x93: {  	s5 =	sld [smem:$0x3FC4]  }
0x94: {  	s6 =	sld [smem:$0x3FD0]  }
0x95: {  	s7 =	sld [smem:$0x3FC3]  }
0x96: {  	s8 =	sld [smem:$0x3FC2]  }
0x97: {  	s10 =	simm.s32 $0xA;
	s11 =	simm.s32 $0x10;
	s9 =	sld [smem:$0x3FC1]  }
0x98: {  	[smem:s11], [sflag:s10] =	dma.local [hbm:s6], $0x1  }
0x99: {  	_ =	swait.eq [sflag:s10], $0x1  }
0x9a: {  	s29 =	sld [smem:$0x11]  }
0x9b: {  	s30 =	sld [smem:$0x12]  }
0x9c: {  	s12 =	sld [smem:$0x13]  }
0x9d: {  	s13 =	sld [smem:$0x14];
	[sflag:s10] =	ssyncset.done $0x0  }
0x9e: {  	s14 =	sld [smem:$0x15];
	[sflag:s10] =	ssyncadd.s32 $0xFFFFFFFF  }
0x9f: {  	s31 =	sld [smem:$0x16];
	(tm) =	ssettm $0x1  }
0xa0: {  	s15 =	sld [smem:$0x3FFB];
	_ =	sdelay $0x3  }
0xa1: {  	_ =	strace s15  }
0xa2: {  	s15 =	sld [smem:$0x3FFC];
	_ =	sdelay $0x3  }
0xa3: {  	_ =	strace s15  }
0xa4: {  	s15 =	sld [smem:$0x3FFD];
	_ =	sdelay $0x3  }
0xa5: {  	_ =	strace s15  }
0xa6: {  	_ =	strace $0x8FFFFFFF  }
0xa7: {  	s20 =	sld [smem:$0x3FDB];
	_ =	sdelay $0x1  }
0xa8: {  	s16 =	simm.s32 $_scs_section_size  }
0xa9: {  	s17 =	simm.s32 $_size__tile_overlayer_lowered;
	s18 =	simm.s32 $_tile_overlayer_lowered  }
0xaa: {  	s23 =	simm.s32 $0x1BFF;
	s22 =	sshll.u32 s18, $0x1;
	s15 =	sadd.s32 s16, s20  }
0xab: {  	s19 =	simm.s32 $0x0;
	s21 =	sshll.u32 s17, $0x1;
	s17 =	sadd.s32 s22, s15  }
0xac: {  	[timem:s19], [sflag:s23] =	dma.local [hbm:s17], s21  }
0xad: {  	_ =	swait.ge [sflag:s23], s21  }
0xae: {  	s16 =	ssub.s32 $0x0, s21;
	[sflag:s23] =	ssyncset.done $0x0  }
0xaf: {  	[sflag:s23] =	ssyncadd.s32 s16;
	_ =	sdelay $0x1  }
0xb0: {  	s24 =	simm.s32 $0x1B8B  }
0xb1: {  	_ =	swait.ge [sflag:s24], $0x1  }
0xb2: {  	[sflag:s24] =	ssyncset.done $0x0  }
0xb3: {  	s25 =	simm.s32 $0x1B8E;
	[sflag:s24] =	ssyncadd.s32 $0xFFFFFFFF  }
0xb4: {  	s26 =	simm.s32 $execute0_lowered;
	[smem:$0x3FD2] =	sst s25  }
0xb5: {  	s16 =	sshll.u32 s26, $0x1;
	_ =	strace $0x80000046;
	[dreg:$0x1] =	wrdreg $0xFFFFFFFF  }
0xb6: {  	s28 =	simm.s32 $_size_execute0_lowered;
	s15 =	sadd.s32 s15, s16;
	[dreg:$0x0] =	wrdreg $0x0  }
0xb7: {  	s16 =	sshll.u32 s28, $0x1;
	[dreg:$0x2] =	wrdreg s15  }
0xb8: {  	[dreg:$0x3] =	wrdreg s16  }
0xb9: {  	[dreg:$0x4] =	wrdreg $0xC0  }
0xba: {  	_ =	task [dreg:s19], $0x5FFFF  }
0xbb: {  	[dreg:$0x1] =	wrdreg $0xFFFFFFFF  }
0xbc: {  	[dreg:$0x0] =	wrdreg $0x60  }
0xbd: {  	[dreg:$0x2] =	wrdreg s2  }
0xbe: {  	[dreg:$0x3] =	wrdreg s3  }
0xbf: {  	[dreg:$0x4] =	wrdreg s4  }
0xc0: {  	[dreg:$0x5] =	wrdreg s5  }
0xc1: {  	[dreg:$0x6] =	wrdreg s7  }
0xc2: {  	[dreg:$0x7] =	wrdreg s8  }
0xc3: {  	[dreg:$0x8] =	wrdreg s9  }
0xc4: {  	[dreg:$0x9] =	wrdreg s29  }
0xc5: {  	[dreg:$0xa] =	wrdreg s30  }
0xc6: {  	[dreg:$0xb] =	wrdreg s14  }
0xc7: {  	[dreg:$0xc] =	wrdreg s31  }
0xc8: {  	[dreg:$0xd] =	wrdreg s12  }
0xc9: {  	[dreg:$0xe] =	wrdreg s13  }
0xca: {  	[dreg:$0xf] =	wrdreg $0x9  }
0xcb: {  	_ =	task.clear_ibuf [dreg:s19], $0x10FFFF;
	_ =	strace $0x90000046  }
0xcc: {  	s29 =	simm.s32 $0x9;
	_ =	strace $0x80000048  }
0xcd: {  	_ =	swait.ge [sflag:s29], $0x1  }
0xce: {  	[sflag:s29] =	ssyncadd.s32 $0xFFFFFFFF  }
0xcf: {  	_ =	strace $0x90000048  }
0xd0: {  	_ =	sfence  }
0xd1: {  	s30 =	sld [smem:$0x0];
	_ =	sdelay $0x2  }
0xd2: {  	s31 =	sshll.u32 s1, $0xD;
	s1 =	sshrl.u32 s1, $0x2  }
0xd3: {  	s3 =	sand.u32 $0x4000, s31;
	s1 =	sadd.s32 s1, s30  }
0xd4: {  	s0 =	sor.u32 s3, s0;
	s1 =	sshll.u32 s1, $0x11  }
0xd5: {  	s0 =	sor.u32 s1, s0  }
0xd6: {  	s0 =	sadd.s32 $0x8F2B, s0  }
0xd7: {  	[sflag:s0] =	ssyncadd.remote.s32 $0x1  }
0xd8: {  	_ =	sfence.sel $0xFFFF  }
0xd9: {  	[dreg:$0x0] =	wrdreg $0xFFFFFFFF;
	(pc) =	sbr.abs _section_cstart, $3  }
0xda: {  	[dreg:$0x1] =	wrdreg $0xFFFFFFFF  }
0xdb: {  	_ =	task.clear_ibuf [dreg:s19], $0x2FFFF;
	_ =	strace $0x9FFFFFFF  }
0xdc: {  	(tm) =	ssettm $0x7FFFFFFF  }
0xdd: {  	_ =	shalt  }
tec
execute0_lowered:
.L_overlay_start_1:
0x0: {  	(tag) =	ssettag $0x1  }
0x1: {  	s0 =	rddreg [dreg:$0x0]  }
0x2: {  	s4 =	rddreg [dreg:$0x1]  }
0x3: {  	s5 =	rddreg [dreg:$0x2]  }
0x4: {  	s1 =	rddreg [dreg:$0x4]  }
0x5: {  	s2 =	rddreg [dreg:$0x5]  }
0x6: {  	s3 =	rddreg [dreg:$0x6]  }
0x7: {  	s7 =	rddreg [dreg:$0x7]  }
0x8: {  	s8 =	rddreg [dreg:$0x8]  }
0x9: {  	s9 =	rddreg [dreg:$0x9]  }
0xa: {  	s10 =	rddreg [dreg:$0xa]  }
0xb: {  	s11 =	rddreg [dreg:$0xb]  }
0xc: {  	s12 =	rddreg [dreg:$0xc]  }
0xd: {  	s13 =	srdreg.scid;
	s14 =	stileid.u32  }
0xe: {  	s6 =	simm.s32 $0x0;
	s18 =	simm.s32 $0x80;
	s28 =	simm.s32 $0x9180  }
0xf: {  	s29 =	simm.s32 $0xD;
	s31 =	simm.s32 $0x9980;
	s17 =	simm.s32 $0xC  }
0x10: {  	s13 =	sand.u32 $0x1, s13;
	s14 =	sshll.u32 s14, $0x1;
	[smem:$0x7FF] =	sst s6  }
0x11: {  	s15 =	ssub.s32 $0x2, s13;
	s13 =	sor.u32 s13, s14;
	_ =	strace $0x80000047  }
0x12: {  	s19 =	sshrl.u32 s15, $0x1;
	s16 =	sshll.u32 s13, $0x4;
	s20 =	sshll.u32 s13, $0x7  }
0x13: {  	s13 =	simm.s32 $0x7;
	s14 =	ssub.s32 s15, s19;
	s0 =	sadd.s32 s0, s16  }
0x14: {  	s4 =	sadd.s32 s4, s16;
	s21 =	sadd.s32 s5, s16;
	[dreg:$0xe] =	wrdreg s0  }
0x15: {  	s22 =	sadd.s32 s7, s20;
	s23 =	sadd.s32 s8, s20;
	[dreg:$0xf] =	wrdreg s4  }
0x16: {  	s24 =	sadd.s32 s9, s20;
	s25 =	sadd.s32 s11, s16;
	[dreg:$0x10] =	wrdreg s21  }
0x17: {  	s26 =	sadd.s32 s12, s16;
	s19 =	simm.s32 $0x100;
	[dreg:$0x11] =	wrdreg s22  }
0x18: {  	s12 =	simm.s32 $0xA180;
	s7 =	simm.s32 $0x6;
	[dreg:$0x12] =	wrdreg s23  }
0x19: {  	s9 =	simm.s32 $0xA;
	s11 =	simm.s32 $0x3;
	[dreg:$0x13] =	wrdreg s24  }
0x1a: {  	s15 =	simm.s32 $0xB;
	s8 =	simm.s32 $0x7A1400;
	[dreg:$0x15] =	wrdreg s25  }
0x1b: {  	s16 =	simm.s32 $0x0;
	s0 =	sadd.s32 s10, s20;
	[dreg:$0x16] =	wrdreg s26  }
.Ltmp0:
0x1c: {  	s30 =	smax.u32 s14, $0x1;
	s10 =	simm.s32 $0x12;
	(pc) =	sbr.rel .LBB2_1-.Ltmp0, $4  }
0x1d: {  	s14 =	simm.s32 $0xA200;
	s24 =	simm.s32 $0x8980;
	s4 =	simm.s32 $0x2  }
0x1e: {  	s23 =	simm.s32 $0x2980;
	s22 =	simm.s32 $0x1180;
	s25 =	simm.s32 $0x5180  }
0x1f: {  	v0 =	vlaneseq.u32;
	s26 =	simm.s32 $0x4;
	s21 =	simm.s32 $0x8;
	[dreg:$0x14] =	wrdreg s0  }
0x20: {  	v0 =	vmul.u32 $0x80, v0;
	s20 =	simm.s32 $0x400;
	[dreg:$0x17] =	wrdreg s30;
	s0 =	simm.s32 $0x8180  }
.LBB2_44:
0x21: {  	s5 =	simm.s32 $0x11  }
0x22: {  	_ =	swait.ge [sflag:s5], $0x80  }
0x23: {  	[sflag:s5] =	ssyncset.done $0x0  }
0x24: {  	[sflag:s5] =	ssyncadd.s32 $0xFFFFFF80  }
0x25: {  	_ =	swait.ge [sflag:s5], $0x80  }
0x26: {  	[sflag:s5] =	ssyncset.done $0x0  }
0x27: {  	s12 =	simm.s32 $0x8000;
	s10 =	rddreg [dreg:$0x11];
	[sflag:s5] =	ssyncadd.s32 $0xFFFFFF80  }
0x28: {  	[hbm4b:s10+s20] =	stream.strided.scatter [tilespmem:s0], [sflag:$0x12], $0x800, s12, s20, $0x38;
	[tilespmem:$0xA280] =	vst v63  }
0x29: {  	s10 =	simm.s32 $0x12  }
0x2a: {  	_ =	swait.ge [sflag:s10], $0x800  }
0x2b: {  	[sflag:s10] =	ssyncset.done $0x0  }
0x2c: {  	s14 =	rddreg [dreg:$0x12];
	[sflag:s10] =	ssyncadd.s32 $0xFFFFF800  }
0x2d: {  	[hbm4b:s14+s20] =	stream.strided.scatter [tilespmem:s24], [sflag:$0x12], $0x800, s12, s20, $0x38;
	[tilespmem:$0xA280] =	vst v63  }
0x2e: {  	_ =	swait.ge [sflag:s10], $0x800  }
0x2f: {  	[sflag:s10] =	ssyncset.done $0x0  }
0x30: {  	s16 =	rddreg [dreg:$0x13];
	[sflag:s10] =	ssyncadd.s32 $0xFFFFF800  }
0x31: {  	[hbm4b:s16+s20] =	stream.strided.scatter [tilespmem:s28], [sflag:$0x12], $0x800, s12, s20, $0x38;
	[tilespmem:$0xA280] =	vst v63  }
0x32: {  	_ =	swait.ge [sflag:s10], $0x800  }
0x33: {  	[sflag:s10] =	ssyncset.done $0x0  }
0x34: {  	s30 =	rddreg [dreg:$0x14];
	[sflag:s10] =	ssyncadd.s32 $0xFFFFF800  }
0x35: {  	[hbm4b:s30+s20] =	stream.strided.scatter [tilespmem:s31], [sflag:$0x12], $0x800, s12, s20, $0x38;
	[tilespmem:$0xA280] =	vst v63  }
0x36: {  	_ =	swait.ge [sflag:s10], $0x800  }
0x37: {  	[sflag:s10] =	ssyncset.done $0x0  }
0x38: {  	s12 =	simm.s32 $0xA180;
	s14 =	rddreg [dreg:$0x15];
	[sflag:s10] =	ssyncadd.s32 $0xFFFFF800  }
0x39: {  	[hbm4b:s14+s6] =	stream.linear.scatter [tilespmem:s12], [sflag:$0x12], $0x80, $0x38;
	[tilespmem:$0xA280] =	vst v63  }
0x3a: {  	_ =	swait.ge [sflag:s10], $0x80  }
0x3b: {  	[sflag:s10] =	ssyncset.done $0x0  }
0x3c: {  	s14 =	simm.s32 $0xA200;
	s16 =	rddreg [dreg:$0x16];
	[sflag:s10] =	ssyncadd.s32 $0xFFFFFF80  }
0x3d: {  	[hbm4b:s16+s6] =	stream.linear.scatter [tilespmem:s14], [sflag:$0x12], $0x80, $0x38;
	[tilespmem:$0xA280] =	vst v63  }
0x3e: {  	_ =	swait.ge [sflag:s10], $0x80  }
0x3f: {  	s16 =	rddreg [dreg:$0x18]  }
0x40: {  	s30 =	rddreg [dreg:$0x17];
	s16 =	sadd.s32 $0x1, s16  }
0x41: {  	p0 =	sne.s32 s16, s30  }
.Ltmp1:
0x42: {  	_ = 	snop;
	(pc) =	sbr.rel @!p0 .LBB2_45-.Ltmp1, $3  }
0x43: {  	_ =	sdelay $0x1  }
0x44: {  	[sflag:s10] =	ssyncset.done $0x0  }
0x45: {  	[sflag:s10] =	ssyncadd.s32 $0xFFFFFF80  }
.LBB2_1:
0x46: {  	[dreg:$0x18] =	wrdreg s16  }
0x47: {  	s5 =	rddreg [dreg:$0xe]  }
0x48: {  	[tilespmem:s6], [sflag:$0x12] =	stream.linear.gather [hbm4b:s5+s6], $0x80, $0x38;
	[tilespmem:$0xA280] =	vst v63  }
0x49: {  	_ =	swait.ge [sflag:s10], $0x80  }
0x4a: {  	[sflag:s10] =	ssyncset.done $0x0  }
0x4b: {  	s30 =	rddreg [dreg:$0xf];
	[sflag:s10] =	ssyncadd.s32 $0xFFFFFF80  }
0x4c: {  	[tilespmem:s18], [sflag:$0x12] =	stream.linear.gather [hbm4b:s30+s6], $0x80, $0x38;
	[tilespmem:$0xA280] =	vst v63  }
0x4d: {  	_ =	swait.ge [sflag:s10], $0x80  }
0x4e: {  	[sflag:s10] =	ssyncset.done $0x0  }
0x4f: {  	s16 =	rddreg [dreg:$0x10];
	[sflag:s10] =	ssyncadd.s32 $0xFFFFFF80  }
0x50: {  	[tilespmem:s19], [sflag:$0x12] =	stream.linear.gather [hbm4b:s16+s6], $0x80, $0x38;
	[tilespmem:$0xA280] =	vst v63  }
0x51: {  	_ =	swait.ge [sflag:s10], $0x80  }
0x52: {  	[sflag:s10] =	ssyncset.done $0x0  }
0x53: {  	[sflag:s10] =	ssyncadd.s32 $0xFFFFFF80  }
.Ltmp2:
0x54: {  	s30 =	rddreg [dreg:$0x3];
	(pc) =	sbr.rel .LBB2_2-.Ltmp2, $4  }
0x55: {  	[tilespmem:s12], [sflag:$0x11] =	stream.indirect.gather [hbm4b:s30+s18], $0x1, s18, s18, $0xb8;
	[tilespmem:$0xA280] =	vst v63  }
0x56: {  	_ = 	snop  }
0x57: {  	[tilespmem:s14], [sflag:$0x11] =	stream.indirect.gather [hbm4b:s30+s18], $0x1, s19, s18, $0xb8;
	[tilespmem:$0xA280] =	vst v63  }
0x58: {  	s12 =	simm.s32 $0x3;
	s14 =	simm.s32 $0x0  }
.LBB2_42:
0x59: {  	s5 =	simm.s32 $0x10  }
0x5a: {  	_ =	swait.ge [sflag:s5], $0x800  }
0x5b: {  	[sflag:s5] =	ssyncset.done $0x0  }
0x5c: {  	[sflag:s5] =	ssyncadd.s32 $0xFFFFF800  }
0x5d: {  	v1 =	vld.idx.msk [tilespmem:v1+s19+$0x0], $0xffff;
	_ =	sdelay $0x4  }
0x5e: {  	v1 =	vand.u32 $0x7F, v1  }
0x5f: {  	v1 =	vor.u32 v0, v1;
	_ =	sdelay $0x3  }
0x60: {  	s30 =	simm.s32 $0x7980  }
0x61: {  	v1 =	vld.idx.msk [tilespmem:v1+s30+$0x0], $0xffff;
	_ =	sdelay $0x4  }
0x62: {  	[tilespmem:v2+s31+$0x0] =	vst.idx.msk $0xffff, v1  }
.LBB2_43:
0x63: {  	s12 =	sadd.s32 $0x4, s12  }
0x64: {  	p0 =	sne.s32 s12, $0x87  }
.Ltmp3:
0x65: {  	_ = 	snop;
	(pc) =	sbr.rel @!p0 .LBB2_44-.Ltmp3, $2  }
0x66: {  	_ =	sdelay $0x2  }
0x67: {  	s14 =	sadd.s32 $0x1, s14  }
.LBB2_2:
0x68: {  	p0 =	seq.s32 s12, $0x3;
	s10 =	sadd.s32 $0xFFFFFFF9, s12  }
0x69: {  	v1 =	vmov @!p0 s10  }
0x6a: {  	s10 =	simm.s32 @!p0 $0x1  }
0x6b: {  	_ =	swait.ge @!p0 [sflag:s10], $0x800  }
0x6c: {  	[sflag:s10] =	ssyncset.done @!p0 $0x0  }
0x6d: {  	[sflag:s10] =	ssyncadd.s32 @!p0 $0xFFFFF800;
	s10 =	simm.s32 @!p0 $0x0  }
0x6e: {  	v2 =	vld.idx.msk @!p0 [tilespmem:v1+s10+$0x0], $0xffff;
	_ =	sdelay $0x2  }
0x6f: {  	v3 =	vlaneseq.u32 @!p0  }
0x70: {  	v5 =	vmul.u32 @!p0 $0x80, v3  }
0x71: {  	v2 =	vand.u32 @!p0 $0x7F, v2  }
0x72: {  	v2 =	vor.u32 @!p0 v5, v2;
	_ =	sdelay $0x3  }
0x73: {  	s16 =	simm.s32 @!p0 $0x180;
	p1 =	seq.s32 @!p0 s12, $0x83;
	v3 =	vand.u32 @!p0 $0xFFFFFFFC, v1  }
0x74: {  	p1 =	por p0, !p1;
	v4 =	vadd.s32 @!p0 v5, v3;
	v2 =	vld.idx.msk @!p0 [tilespmem:v2+s16+$0x0], $0xffff  }
.Ltmp4:
0x75: {  	_ = 	snop;
	(pc) =	sbr.rel @p1 .LBB2_3-.Ltmp4, $3  }
0x76: {  	_ =	sdelay $0x1  }
0x77: {  	s30 =	simm.s32 @!p0 $0x8180  }
0x78: {  	s16 =	sshll.u32 s14, $0x2;
	[tilespmem:v4+s30+$0x0] =	vst.idx.msk @!p0 $0xffff, v2  }
0x79: {  	s5 =	simm.s32 $0x5  }
0x7a: {  	_ =	swait.ge [sflag:s5], $0x800  }
0x7b: {  	[sflag:s5] =	ssyncset.done $0x0  }
0x7c: {  	[sflag:s5] =	ssyncadd.s32 $0xFFFFF800  }
0x7d: {  	v2 =	vld.idx.msk [tilespmem:v1+s6+$0x0], $0xffff;
	_ =	sdelay $0x4  }
0x7e: {  	v2 =	vand.u32 $0x7F, v2  }
0x7f: {  	v2 =	vor.u32 v0, v2;
	_ =	sdelay $0x3  }
0x80: {  	s10 =	simm.s32 $0x2180  }
0x81: {  	v2 =	vld.idx.msk [tilespmem:v2+s10+$0x0], $0xffff;
	_ =	sdelay $0x4  }
0x82: {  	s30 =	simm.s32 $0x9;
	[tilespmem:v4+s24+$0x0] =	vst.idx.msk $0xffff, v2  }
0x83: {  	_ =	swait.ge [sflag:s30], $0x800  }
0x84: {  	[sflag:s30] =	ssyncset.done $0x0  }
0x85: {  	[sflag:s30] =	ssyncadd.s32 $0xFFFFF800  }
0x86: {  	v2 =	vld.idx.msk [tilespmem:v1+s18+$0x0], $0xffff;
	_ =	sdelay $0x4  }
0x87: {  	v2 =	vand.u32 $0x7F, v2  }
0x88: {  	v2 =	vor.u32 v0, v2;
	_ =	sdelay $0x3  }
0x89: {  	s10 =	simm.s32 $0x4180  }
0x8a: {  	v2 =	vld.idx.msk [tilespmem:v2+s10+$0x0], $0xffff;
	_ =	sdelay $0x4  }
0x8b: {  	[tilespmem:v4+s28+$0x0] =	vst.idx.msk $0xffff, v2  }
0x8c: {  	_ =	swait.ge [sflag:s29], $0x800  }
0x8d: {  	[sflag:s29] =	ssyncset.done $0x0  }
0x8e: {  	[sflag:s29] =	ssyncadd.s32 $0xFFFFF800  }
0x8f: {  	v1 =	vld.idx.msk [tilespmem:v1+s19+$0x0], $0xffff;
	_ =	sdelay $0x4  }
0x90: {  	v1 =	vand.u32 $0x7F, v1  }
0x91: {  	v1 =	vor.u32 v0, v1;
	_ =	sdelay $0x3  }
0x92: {  	s30 =	simm.s32 $0x6180  }
0x93: {  	v1 =	vld.idx.msk [tilespmem:v1+s30+$0x0], $0xffff  }
.Ltmp5:
0x94: {  	_ = 	snop;
	(pc) =	sbr.rel .LBB2_6-.Ltmp5, $2  }
0x95: {  	_ =	sdelay $0x2  }
0x96: {  	p1 =	por $0x1, $0x1;
	[tilespmem:v4+s31+$0x0] =	vst.idx.msk $0xffff, v1  }
.LBB2_3:
0x97: {  	s30 =	sadd.s32 $0xFFFFFFFD, s12  }
0x98: {  	v2 =	vmov s30  }
0x99: {  	v2 =	vand.u32 $0xFFFFFFFC, v2  }
0x9a: {  	v2 =	vbroadcast v2, $0x0;
	_ =	sdelay $0x5  }
0x9b: {  	v6 =	vld.idx.msk [tilespmem:v2+s6+$0x0], $0xffff;
	_ =	sdelay $0x4  }
0x9c: {  	v6 =	vand.u32 $0xFFFFFF80, v6  }
0x9d: {  	v6 =	vxor.u32 $0x80000000, v6  }
0x9e: {  	(xrf0) =	vmax.scan.msk.u32 $0xffff, v6;
	_ =	sdelay $0x5  }
0x9f: {  	v6, _, _ =	vpop (xrf0)  }
0xa0: {  	(v2sf) =	vpush v6, $0xF;
	_ =	sdelay $0xe  }
0xa1: {  	s5 =	spop (v2sf)  }
0xa2: {  	s30 =	sand.u32 $0x1FFFFF80, s5  }
0xa3: {  	s5 =	simm.s32 $0x180;
	s30 =	sadd.s32 s1, s30  }
0xa4: {  	[tilespmem:s5], [sflag:$0x1] =	stream.strided.gather [hbm4b:s30+s20], $0x800, s8, s20, $0x38;
	[tilespmem:$0xA280] =	vst v63  }
0xa5: {  	s30 =	simm.s32 @!p0 $0x5  }
0xa6: {  	_ =	swait.ge @!p0 [sflag:s30], $0x800  }
0xa7: {  	[sflag:s30] =	ssyncset.done @!p0 $0x0  }
0xa8: {  	[sflag:s30] =	ssyncadd.s32 @!p0 $0xFFFFF800  }
0xa9: {  	v6 =	vld.idx.msk @!p0 [tilespmem:v1+s10+$0x0], $0xffff;
	_ =	sdelay $0x4  }
0xaa: {  	v6 =	vand.u32 @!p0 $0x7F, v6  }
0xab: {  	v5 =	vor.u32 @!p0 v5, v6;
	_ =	sdelay $0x3  }
0xac: {  	s10 =	simm.s32 @!p0 $0x2180  }
0xad: {  	v5 =	vld.idx.msk @!p0 [tilespmem:v5+s10+$0x0], $0xffff;
	_ =	sdelay $0x3  }
0xae: {  	s10 =	simm.s32 @!p0 $0x8980  }
0xaf: {  	[tilespmem:v4+s10+$0x0] =	vst.idx.msk @!p0 $0xffff, v5  }
0xb0: {  	v4 =	vld.idx.msk [tilespmem:v2+s6+$0x0], $0xffff;
	_ =	sdelay $0x4  }
0xb1: {  	v4 =	vand.u32 $0xFFFFFF80, v4  }
0xb2: {  	v4 =	vxor.u32 $0x80000000, v4  }
0xb3: {  	(xrf0) =	vmax.scan.msk.u32 $0xffff, v4;
	_ =	sdelay $0x5  }
0xb4: {  	v4, _, _ =	vpop (xrf0)  }
0xb5: {  	(v2sf) =	vpush v4, $0xF;
	_ =	sdelay $0xe  }
0xb6: {  	s5 =	spop (v2sf)  }
0xb7: {  	s10 =	sand.u32 $0x1FFFFF80, s5  }
0xb8: {  	s30 =	simm.s32 $0x2180;
	s10 =	sadd.s32 s3, s10  }
0xb9: {  	[tilespmem:s30], [sflag:$0x5] =	stream.strided.gather [hbm4b:s10+s20], $0x800, s8, s20, $0x38;
	[tilespmem:$0xA280] =	vst v63  }
0xba: {  	s10 =	simm.s32 @!p0 $0x9  }
0xbb: {  	_ =	swait.ge @!p0 [sflag:s10], $0x800  }
0xbc: {  	[sflag:s10] =	ssyncset.done @!p0 $0x0  }
0xbd: {  	[sflag:s10] =	ssyncadd.s32 @!p0 $0xFFFFF800;
	s10 =	simm.s32 @!p0 $0x80  }
0xbe: {  	v4 =	vld.idx.msk @!p0 [tilespmem:v1+s10+$0x0], $0xffff;
	_ =	sdelay $0x2  }
0xbf: {  	v5 =	vlaneseq.u32 @!p0  }
0xc0: {  	v5 =	vmul.u32 @!p0 $0x80, v5  }
0xc1: {  	v4 =	vand.u32 @!p0 $0x7F, v4  }
0xc2: {  	v4 =	vor.u32 @!p0 v5, v4;
	_ =	sdelay $0x3  }
0xc3: {  	s10 =	simm.s32 @!p0 $0x4180  }
0xc4: {  	v3 =	vadd.s32 @!p0 v5, v3;
	v4 =	vld.idx.msk @!p0 [tilespmem:v4+s10+$0x0], $0xffff;
	_ =	sdelay $0x3  }
0xc5: {  	s10 =	simm.s32 @!p0 $0x9180  }
0xc6: {  	[tilespmem:v3+s10+$0x0] =	vst.idx.msk @!p0 $0xffff, v4  }
0xc7: {  	v4 =	vld.idx.msk [tilespmem:v2+s18+$0x0], $0xffff;
	_ =	sdelay $0x4  }
0xc8: {  	v4 =	vand.u32 $0xFFFFFF80, v4  }
0xc9: {  	v4 =	vxor.u32 $0x80000000, v4  }
0xca: {  	(xrf0) =	vmax.scan.msk.u32 $0xffff, v4;
	_ =	sdelay $0x5  }
0xcb: {  	v4, _, _ =	vpop (xrf0)  }
0xcc: {  	(v2sf) =	vpush v4, $0xF;
	_ =	sdelay $0xe  }
0xcd: {  	s5 =	spop (v2sf)  }
0xce: {  	s10 =	sand.u32 $0x1FFFFF80, s5  }
0xcf: {  	s30 =	simm.s32 $0x4180;
	s10 =	sadd.s32 s2, s10  }
0xd0: {  	[tilespmem:s30], [sflag:$0x9] =	stream.strided.gather [hbm4b:s10+s20], $0x800, s8, s20, $0x38;
	[tilespmem:$0xA280] =	vst v63  }
0xd1: {  	s10 =	simm.s32 @!p0 $0xD  }
0xd2: {  	_ =	swait.ge @!p0 [sflag:s10], $0x800  }
0xd3: {  	[sflag:s10] =	ssyncset.done @!p0 $0x0  }
0xd4: {  	[sflag:s10] =	ssyncadd.s32 @!p0 $0xFFFFF800;
	s10 =	simm.s32 @!p0 $0x100  }
0xd5: {  	v1 =	vld.idx.msk @!p0 [tilespmem:v1+s10+$0x0], $0xffff;
	_ =	sdelay $0x4  }
0xd6: {  	v1 =	vand.u32 @!p0 $0x7F, v1  }
0xd7: {  	v1 =	vor.u32 @!p0 v5, v1;
	_ =	sdelay $0x3  }
0xd8: {  	s10 =	simm.s32 @!p0 $0x6180  }
0xd9: {  	v1 =	vld.idx.msk @!p0 [tilespmem:v1+s10+$0x0], $0xffff;
	_ =	sdelay $0x3  }
0xda: {  	s10 =	simm.s32 @!p0 $0x9980  }
0xdb: {  	[tilespmem:v3+s10+$0x0] =	vst.idx.msk @!p0 $0xffff, v1  }
0xdc: {  	v1 =	vld.idx.msk [tilespmem:v2+s19+$0x0], $0xffff;
	_ =	sdelay $0x4  }
0xdd: {  	v1 =	vand.u32 $0xFFFFFF80, v1  }
0xde: {  	v1 =	vxor.u32 $0x80000000, v1  }
0xdf: {  	(xrf0) =	vmax.scan.msk.u32 $0xffff, v1;
	_ =	sdelay $0x5  }
0xe0: {  	v1, _, _ =	vpop (xrf0)  }
0xe1: {  	(v2sf) =	vpush v1, $0xF;
	_ =	sdelay $0xd  }
.Ltmp6:
0xe2: {  	_ = 	snop;
	(pc) =	sbr.rel @!p0 .LBB2_6-.Ltmp6, $4  }
0xe3: {  	s5 =	spop (v2sf)  }
0xe4: {  	s10 =	sand.u32 $0x1FFFFF80, s5  }
0xe5: {  	p1 =	por $0x0, $0x0;
	s30 =	simm.s32 $0x6180;
	s10 =	sadd.s32 s2, s10  }
0xe6: {  	[tilespmem:s30], [sflag:$0xD] =	stream.strided.gather [hbm4b:s10+s20], $0x800, s8, s20, $0x38;
	[tilespmem:$0xA280] =	vst v63  }
.Ltmp7:
0xe7: {  	(pc) =	sbr.rel .LBB2_7-.Ltmp7, $2  }
0xe8: {  	_ =	sdelay $0x2  }
0xe9: {  	s10 =	sadd.s32 $0xFFFFFFFD, s16;
	s30 =	simm.s32 $0x1  }
.LBB2_6:
0xea: {  	s10 =	sadd.s32 $0xFFFFFFFA, s12  }
0xeb: {  	v1 =	vmov s10;
	_ =	sdelay $0x1  }
0xec: {  	_ =	swait.ge [sflag:s4], $0x800  }
0xed: {  	[sflag:s4] =	ssyncset.done $0x0  }
0xee: {  	[sflag:s4] =	ssyncadd.s32 $0xFFFFF800  }
0xef: {  	v2 =	vld.idx.msk [tilespmem:v1+s6+$0x0], $0xffff;
	_ =	sdelay $0x4  }
0xf0: {  	v2 =	vand.u32 $0x7F, v2  }
0xf1: {  	v2 =	vor.u32 v0, v2;
	_ =	sdelay $0x3  }
0xf2: {  	s5 =	simm.s32 $0x980;
	v3 =	vand.u32 $0xFFFFFFFD, v1  }
0xf3: {  	v4 =	vld.idx.msk [tilespmem:v2+s5+$0x0], $0xffff;
	v2 =	vadd.s32 v0, v3  }
.Ltmp8:
0xf4: {  	_ = 	snop;
	(pc) =	sbr.rel @p1 .LBB2_10-.Ltmp8, $2  }
0xf5: {  	_ =	sdelay $0x2  }
0xf6: {  	s30 =	sadd.s32 $0xFFFFFFFE, s12;
	p2 =	por $0x1, $0x1;
	[tilespmem:v2+s0+$0x0] =	vst.idx.msk $0xffff, v4  }
.LBB2_7:
0xf7: {  	v1 =	vmov s30  }
0xf8: {  	v1 =	vand.u32 $0xFFFFFFFD, v1  }
0xf9: {  	v1 =	vbroadcast v1, $0x0;
	_ =	sdelay $0x5  }
0xfa: {  	v2 =	vld.idx.msk [tilespmem:v1+s6+$0x0], $0xffff;
	_ =	sdelay $0x4  }
0xfb: {  	v2 =	vand.u32 $0xFFFFFF80, v2  }
0xfc: {  	v2 =	vxor.u32 $0x80000000, v2  }
0xfd: {  	(xrf0) =	vmax.scan.msk.u32 $0xffff, v2;
	_ =	sdelay $0x5  }
0xfe: {  	v2, _, _ =	vpop (xrf0)  }
0xff: {  	(v2sf) =	vpush v2, $0xF;
	_ =	sdelay $0xd  }
.Ltmp9:
0x100: {  	_ = 	snop;
	(pc) =	sbr.rel @!p0 .LBB2_9-.Ltmp9, $4  }
0x101: {  	s5 =	spop (v2sf)  }
0x102: {  	s5 =	sand.u32 $0x1FFFFF80, s5  }
0x103: {  	s23 =	simm.s32 $0x980;
	s5 =	sadd.s32 s1, s5  }
0x104: {  	[tilespmem:s23], [sflag:$0x2] =	stream.strided.gather [hbm4b:s5+s20], $0x800, s8, s20, $0x38;
	[tilespmem:$0xA280] =	vst v63  }
.Ltmp10:
0x105: {  	(pc) =	sbr.rel .LBB2_12-.Ltmp10, $2  }
0x106: {  	_ =	sdelay $0x2  }
0x107: {  	s23 =	simm.s32 $0x2980  }
.LBB2_9:
0x108: {  	v1 =	vmov s10  }
0x109: {  	v2 =	vand.u32 $0xFFFFFFFD, v1  }
0x10a: {  	p2 =	por $0x0, $0x0;
	s23 =	simm.s32 $0x2980;
	v2 =	vadd.s32 v0, v2  }
.LBB2_10:
0x10b: {  	_ = 	snop  }
0x10c: {  	_ =	swait.ge [sflag:s7], $0x800  }
0x10d: {  	[sflag:s7] =	ssyncset.done $0x0  }
0x10e: {  	[sflag:s7] =	ssyncadd.s32 $0xFFFFF800  }
0x10f: {  	v3 =	vld.idx.msk [tilespmem:v1+s6+$0x0], $0xffff;
	_ =	sdelay $0x4  }
0x110: {  	v3 =	vand.u32 $0x7F, v3  }
0x111: {  	v3 =	vor.u32 v0, v3;
	_ =	sdelay $0x4  }
0x112: {  	v3 =	vld.idx.msk [tilespmem:v3+s23+$0x0], $0xffff  }
.Ltmp11:
0x113: {  	_ = 	snop;
	(pc) =	sbr.rel @p2 .LBB2_14-.Ltmp11, $2  }
0x114: {  	_ =	sdelay $0x2  }
0x115: {  	p1 =	por $0x1, $0x1;
	[tilespmem:v2+s24+$0x0] =	vst.idx.msk $0xffff, v3  }
0x116: {  	v1 =	vmov s30  }
0x117: {  	v1 =	vand.u32 $0xFFFFFFFD, v1  }
0x118: {  	v1 =	vbroadcast v1, $0x0  }
.LBB2_12:
0x119: {  	_ =	sdelay $0x4  }
0x11a: {  	v2 =	vld.idx.msk [tilespmem:v1+s6+$0x0], $0xffff;
	_ =	sdelay $0x4  }
0x11b: {  	v2 =	vand.u32 $0xFFFFFF80, v2  }
0x11c: {  	v2 =	vxor.u32 $0x80000000, v2  }
0x11d: {  	(xrf0) =	vmax.scan.msk.u32 $0xffff, v2;
	_ =	sdelay $0x5  }
0x11e: {  	v2, _, _ =	vpop (xrf0)  }
0x11f: {  	(v2sf) =	vpush v2, $0xF;
	_ =	sdelay $0xd  }
.Ltmp12:
0x120: {  	_ = 	snop;
	(pc) =	sbr.rel @p0 .LBB2_16-.Ltmp12, $4  }
0x121: {  	s5 =	spop (v2sf)  }
0x122: {  	s5 =	sand.u32 $0x1FFFFF80, s5  }
0x123: {  	s5 =	sadd.s32 s3, s5  }
0x124: {  	[tilespmem:s23], [sflag:$0x6] =	stream.strided.gather [hbm4b:s5+s20], $0x800, s8, s20, $0x38;
	[tilespmem:$0xA280] =	vst v63  }
0x125: {  	v1 =	vmov s10  }
0x126: {  	v2 =	vand.u32 $0xFFFFFFFD, v1  }
0x127: {  	p1 =	por $0x0, $0x0;
	v2 =	vadd.s32 v0, v2  }
.LBB2_14:
0x128: {  	_ = 	snop  }
0x129: {  	_ =	swait.ge [sflag:s9], $0x800  }
0x12a: {  	[sflag:s9] =	ssyncset.done $0x0  }
0x12b: {  	[sflag:s9] =	ssyncadd.s32 $0xFFFFF800  }
0x12c: {  	v3 =	vld.idx.msk [tilespmem:v1+s18+$0x0], $0xffff;
	_ =	sdelay $0x4  }
0x12d: {  	v3 =	vand.u32 $0x7F, v3  }
0x12e: {  	v3 =	vor.u32 v0, v3;
	_ =	sdelay $0x3  }
0x12f: {  	s5 =	simm.s32 $0x4980  }
0x130: {  	v3 =	vld.idx.msk [tilespmem:v3+s5+$0x0], $0xffff  }
.Ltmp13:
0x131: {  	_ = 	snop;
	(pc) =	sbr.rel @!p1 .LBB2_15-.Ltmp13, $2  }
0x132: {  	_ =	sdelay $0x2  }
0x133: {  	[tilespmem:v2+s28+$0x0] =	vst.idx.msk $0xffff, v3  }
0x134: {  	s5 =	simm.s32 $0xE  }
0x135: {  	_ =	swait.ge [sflag:s5], $0x800  }
0x136: {  	[sflag:s5] =	ssyncset.done $0x0  }
0x137: {  	[sflag:s5] =	ssyncadd.s32 $0xFFFFF800  }
0x138: {  	v1 =	vld.idx.msk [tilespmem:v1+s19+$0x0], $0xffff;
	_ =	sdelay $0x4  }
0x139: {  	v1 =	vand.u32 $0x7F, v1  }
0x13a: {  	v1 =	vor.u32 v0, v1;
	_ =	sdelay $0x3  }
0x13b: {  	s30 =	simm.s32 $0x6980  }
0x13c: {  	v1 =	vld.idx.msk [tilespmem:v1+s30+$0x0], $0xffff  }
.Ltmp14:
0x13d: {  	_ = 	snop;
	(pc) =	sbr.rel .LBB2_19-.Ltmp14, $2  }
0x13e: {  	_ =	sdelay $0x2  }
0x13f: {  	p1 =	por $0x1, $0x1;
	[tilespmem:v2+s31+$0x0] =	vst.idx.msk $0xffff, v1  }
.LBB2_15:
0x140: {  	v1 =	vmov s30  }
0x141: {  	v1 =	vand.u32 $0xFFFFFFFD, v1  }
0x142: {  	v1 =	vbroadcast v1, $0x0  }
.LBB2_16:
0x143: {  	_ =	sdelay $0x4  }
0x144: {  	v2 =	vld.idx.msk [tilespmem:v1+s18+$0x0], $0xffff;
	_ =	sdelay $0x4  }
0x145: {  	v2 =	vand.u32 $0xFFFFFF80, v2  }
0x146: {  	v2 =	vxor.u32 $0x80000000, v2  }
0x147: {  	(xrf0) =	vmax.scan.msk.u32 $0xffff, v2;
	_ =	sdelay $0x5  }
0x148: {  	v2, _, _ =	vpop (xrf0)  }
0x149: {  	(v2sf) =	vpush v2, $0xF;
	_ =	sdelay $0xe  }
0x14a: {  	s5 =	spop (v2sf)  }
0x14b: {  	s5 =	sand.u32 $0x1FFFFF80, s5  }
0x14c: {  	s22 =	simm.s32 $0x4980;
	s5 =	sadd.s32 s2, s5  }
0x14d: {  	v2 =	vmov @!p0 s10;
	[tilespmem:s22], [sflag:$0xA] =	stream.strided.gather [hbm4b:s5+s20], $0x800, s8, s20, $0x38;
	[tilespmem:$0xA280] =	vst v63  }
0x14e: {  	s5 =	simm.s32 @!p0 $0xE  }
0x14f: {  	_ =	swait.ge @!p0 [sflag:s5], $0x800  }
0x150: {  	[sflag:s5] =	ssyncset.done @!p0 $0x0  }
0x151: {  	[sflag:s5] =	ssyncadd.s32 @!p0 $0xFFFFF800;
	s5 =	simm.s32 @!p0 $0x100  }
0x152: {  	v3 =	vld.idx.msk @!p0 [tilespmem:v2+s5+$0x0], $0xffff;
	_ =	sdelay $0x2  }
0x153: {  	v4 =	vlaneseq.u32 @!p0  }
0x154: {  	v4 =	vmul.u32 @!p0 $0x80, v4  }
0x155: {  	v3 =	vand.u32 @!p0 $0x7F, v3  }
0x156: {  	v3 =	vor.u32 @!p0 v4, v3  }
0x157: {  	v2 =	vand.u32 @!p0 $0xFFFFFFFD, v2  }
0x158: {  	v2 =	vadd.s32 @!p0 v4, v2;
	v4 =	vmov @!p0 s30  }
0x159: {  	v4 =	vand.u32 @!p0 $0xFFFFFFFD, v4  }
0x15a: {  	s5 =	simm.s32 @!p0 $0x6980;
	v4 =	vbroadcast @!p0 v4, $0x0  }
0x15b: {  	v3 =	vld.idx.msk @!p0 [tilespmem:v3+s5+$0x0], $0xffff  }
0x15c: {  	v1 =	vpsel p0, v1, v4;
	_ =	sdelay $0x2  }
0x15d: {  	s5 =	simm.s32 @!p0 $0x9980  }
0x15e: {  	[tilespmem:v2+s5+$0x0] =	vst.idx.msk @!p0 $0xffff, v3  }
0x15f: {  	v1 =	vld.idx.msk [tilespmem:v1+s19+$0x0], $0xffff;
	_ =	sdelay $0x4  }
0x160: {  	v1 =	vand.u32 $0xFFFFFF80, v1  }
0x161: {  	v1 =	vxor.u32 $0x80000000, v1  }
0x162: {  	(xrf0) =	vmax.scan.msk.u32 $0xffff, v1;
	_ =	sdelay $0x5  }
0x163: {  	v1, _, _ =	vpop (xrf0)  }
0x164: {  	(v2sf) =	vpush v1, $0xF;
	_ =	sdelay $0xd  }
.Ltmp15:
0x165: {  	_ = 	snop;
	(pc) =	sbr.rel @!p0 .LBB2_19-.Ltmp15, $4  }
0x166: {  	s22 =	spop (v2sf)  }
0x167: {  	p1 =	por $0x0, $0x0;
	s5 =	sand.u32 $0x1FFFFF80, s22  }
0x168: {  	s30 =	simm.s32 $0x6980;
	s22 =	simm.s32 $0x1180;
	s5 =	sadd.s32 s2, s5  }
0x169: {  	[tilespmem:s30], [sflag:$0xE] =	stream.strided.gather [hbm4b:s5+s20], $0x800, s8, s20, $0x38;
	[tilespmem:$0xA280] =	vst v63  }
.Ltmp16:
0x16a: {  	(pc) =	sbr.rel .LBB2_20-.Ltmp16, $2  }
0x16b: {  	_ =	sdelay $0x2  }
0x16c: {  	s10 =	sadd.s32 $0xFFFFFFFE, s16;
	s30 =	simm.s32 $0x2  }
.LBB2_19:
0x16d: {  	s10 =	sadd.s32 $0xFFFFFFFB, s12  }
0x16e: {  	v1 =	vmov s10;
	_ =	sdelay $0x1  }
0x16f: {  	_ =	swait.ge [sflag:s11], $0x800  }
0x170: {  	[sflag:s11] =	ssyncset.done $0x0  }
0x171: {  	[sflag:s11] =	ssyncadd.s32 $0xFFFFF800  }
0x172: {  	v2 =	vld.idx.msk [tilespmem:v1+s6+$0x0], $0xffff;
	_ =	sdelay $0x4  }
0x173: {  	v2 =	vand.u32 $0x7F, v2  }
0x174: {  	v2 =	vor.u32 v0, v2;
	_ =	sdelay $0x3  }
0x175: {  	v3 =	vand.u32 $0xFFFFFFFE, v1  }
0x176: {  	v4 =	vld.idx.msk [tilespmem:v2+s22+$0x0], $0xffff;
	v2 =	vadd.s32 v0, v3  }
.Ltmp17:
0x177: {  	_ = 	snop;
	(pc) =	sbr.rel @p1 .LBB2_22-.Ltmp17, $2  }
0x178: {  	_ =	sdelay $0x2  }
0x179: {  	s30 =	sadd.s32 $0xFFFFFFFF, s12;
	p2 =	por $0x1, $0x1;
	[tilespmem:v2+s0+$0x0] =	vst.idx.msk $0xffff, v4  }
.LBB2_20:
0x17a: {  	v1 =	vmov s30  }
0x17b: {  	v1 =	vand.u32 $0xFFFFFFFE, v1  }
0x17c: {  	v1 =	vbroadcast v1, $0x0;
	_ =	sdelay $0x5  }
0x17d: {  	v2 =	vld.idx.msk [tilespmem:v1+s6+$0x0], $0xffff;
	_ =	sdelay $0x4  }
0x17e: {  	v2 =	vand.u32 $0xFFFFFF80, v2  }
0x17f: {  	v2 =	vxor.u32 $0x80000000, v2  }
0x180: {  	(xrf0) =	vmax.scan.msk.u32 $0xffff, v2;
	_ =	sdelay $0x5  }
0x181: {  	v2, _, _ =	vpop (xrf0)  }
0x182: {  	(v2sf) =	vpush v2, $0xF;
	_ =	sdelay $0xd  }
.Ltmp18:
0x183: {  	_ = 	snop;
	(pc) =	sbr.rel @p0 .LBB2_24-.Ltmp18, $4  }
0x184: {  	s5 =	spop (v2sf)  }
0x185: {  	s5 =	sand.u32 $0x1FFFFF80, s5  }
0x186: {  	s5 =	sadd.s32 s1, s5  }
0x187: {  	[tilespmem:s22], [sflag:$0x3] =	stream.strided.gather [hbm4b:s5+s20], $0x800, s8, s20, $0x38;
	[tilespmem:$0xA280] =	vst v63  }
0x188: {  	v1 =	vmov s10  }
0x189: {  	v2 =	vand.u32 $0xFFFFFFFE, v1  }
0x18a: {  	p2 =	por $0x0, $0x0;
	v2 =	vadd.s32 v0, v2  }
.LBB2_22:
0x18b: {  	_ = 	snop  }
0x18c: {  	_ =	swait.ge [sflag:s13], $0x800  }
0x18d: {  	[sflag:s13] =	ssyncset.done $0x0  }
0x18e: {  	[sflag:s13] =	ssyncadd.s32 $0xFFFFF800  }
0x18f: {  	v3 =	vld.idx.msk [tilespmem:v1+s6+$0x0], $0xffff;
	_ =	sdelay $0x4  }
0x190: {  	v3 =	vand.u32 $0x7F, v3  }
0x191: {  	v3 =	vor.u32 v0, v3;
	_ =	sdelay $0x3  }
0x192: {  	s5 =	simm.s32 $0x3180  }
0x193: {  	v3 =	vld.idx.msk [tilespmem:v3+s5+$0x0], $0xffff  }
.Ltmp19:
0x194: {  	_ = 	snop;
	(pc) =	sbr.rel @p2 .LBB2_27-.Ltmp19, $2  }
0x195: {  	_ =	sdelay $0x2  }
0x196: {  	p1 =	por $0x1, $0x1;
	[tilespmem:v2+s24+$0x0] =	vst.idx.msk $0xffff, v3  }
0x197: {  	v1 =	vmov s30  }
0x198: {  	v1 =	vand.u32 $0xFFFFFFFE, v1  }
0x199: {  	v1 =	vbroadcast v1, $0x0  }
.LBB2_24:
0x19a: {  	_ =	sdelay $0x4  }
0x19b: {  	v2 =	vld.idx.msk [tilespmem:v1+s6+$0x0], $0xffff;
	_ =	sdelay $0x4  }
0x19c: {  	v2 =	vand.u32 $0xFFFFFF80, v2  }
0x19d: {  	v2 =	vxor.u32 $0x80000000, v2  }
0x19e: {  	(xrf0) =	vmax.scan.msk.u32 $0xffff, v2;
	_ =	sdelay $0x5  }
0x19f: {  	v2, _, _ =	vpop (xrf0)  }
0x1a0: {  	(v2sf) =	vpush v2, $0xF;
	_ =	sdelay $0xd  }
.Ltmp20:
0x1a1: {  	_ = 	snop;
	(pc) =	sbr.rel @!p0 .LBB2_26-.Ltmp20, $4  }
0x1a2: {  	s5 =	spop (v2sf)  }
0x1a3: {  	s5 =	sand.u32 $0x1FFFFF80, s5  }
0x1a4: {  	s25 =	simm.s32 $0x3180;
	s5 =	sadd.s32 s3, s5  }
0x1a5: {  	[tilespmem:s25], [sflag:$0x7] =	stream.strided.gather [hbm4b:s5+s20], $0x800, s8, s20, $0x38;
	[tilespmem:$0xA280] =	vst v63  }
.Ltmp21:
0x1a6: {  	(pc) =	sbr.rel .LBB2_29-.Ltmp21, $2  }
0x1a7: {  	_ =	sdelay $0x2  }
0x1a8: {  	s25 =	simm.s32 $0x5180  }
.LBB2_26:
0x1a9: {  	v1 =	vmov s10  }
0x1aa: {  	v2 =	vand.u32 $0xFFFFFFFE, v1  }
0x1ab: {  	p1 =	por $0x0, $0x0;
	s25 =	simm.s32 $0x5180;
	v2 =	vadd.s32 v0, v2  }
.LBB2_27:
0x1ac: {  	_ = 	snop  }
0x1ad: {  	_ =	swait.ge [sflag:s15], $0x800  }
0x1ae: {  	[sflag:s15] =	ssyncset.done $0x0  }
0x1af: {  	[sflag:s15] =	ssyncadd.s32 $0xFFFFF800  }
0x1b0: {  	v3 =	vld.idx.msk [tilespmem:v1+s18+$0x0], $0xffff;
	_ =	sdelay $0x4  }
0x1b1: {  	v3 =	vand.u32 $0x7F, v3  }
0x1b2: {  	v3 =	vor.u32 v0, v3;
	_ =	sdelay $0x4  }
0x1b3: {  	v3 =	vld.idx.msk [tilespmem:v3+s25+$0x0], $0xffff  }
.Ltmp22:
0x1b4: {  	_ = 	snop;
	(pc) =	sbr.rel @!p1 .LBB2_28-.Ltmp22, $2  }
0x1b5: {  	_ =	sdelay $0x2  }
0x1b6: {  	[tilespmem:v2+s28+$0x0] =	vst.idx.msk $0xffff, v3  }
0x1b7: {  	s5 =	simm.s32 $0xF  }
0x1b8: {  	_ =	swait.ge [sflag:s5], $0x800  }
0x1b9: {  	[sflag:s5] =	ssyncset.done $0x0  }
0x1ba: {  	[sflag:s5] =	ssyncadd.s32 $0xFFFFF800  }
0x1bb: {  	v1 =	vld.idx.msk [tilespmem:v1+s19+$0x0], $0xffff;
	_ =	sdelay $0x4  }
0x1bc: {  	v1 =	vand.u32 $0x7F, v1  }
0x1bd: {  	v1 =	vor.u32 v0, v1;
	_ =	sdelay $0x3  }
0x1be: {  	s30 =	simm.s32 $0x7180  }
0x1bf: {  	v1 =	vld.idx.msk [tilespmem:v1+s30+$0x0], $0xffff  }
.Ltmp23:
0x1c0: {  	_ = 	snop;
	(pc) =	sbr.rel .LBB2_32-.Ltmp23, $2  }
0x1c1: {  	_ =	sdelay $0x2  }
0x1c2: {  	p1 =	por $0x1, $0x1;
	[tilespmem:v2+s31+$0x0] =	vst.idx.msk $0xffff, v1  }
.LBB2_28:
0x1c3: {  	v1 =	vmov s30  }
0x1c4: {  	v1 =	vand.u32 $0xFFFFFFFE, v1  }
0x1c5: {  	v1 =	vbroadcast v1, $0x0  }
.LBB2_29:
0x1c6: {  	_ =	sdelay $0x4  }
0x1c7: {  	v2 =	vld.idx.msk [tilespmem:v1+s18+$0x0], $0xffff;
	_ =	sdelay $0x4  }
0x1c8: {  	v2 =	vand.u32 $0xFFFFFF80, v2  }
0x1c9: {  	v2 =	vxor.u32 $0x80000000, v2  }
0x1ca: {  	(xrf0) =	vmax.scan.msk.u32 $0xffff, v2;
	_ =	sdelay $0x5  }
0x1cb: {  	v2, _, _ =	vpop (xrf0)  }
0x1cc: {  	(v2sf) =	vpush v2, $0xF;
	_ =	sdelay $0xe  }
0x1cd: {  	s5 =	spop (v2sf)  }
0x1ce: {  	s5 =	sand.u32 $0x1FFFFF80, s5  }
0x1cf: {  	s5 =	sadd.s32 s2, s5  }
0x1d0: {  	v2 =	vmov @!p0 s10;
	[tilespmem:s25], [sflag:$0xB] =	stream.strided.gather [hbm4b:s5+s20], $0x800, s8, s20, $0x38;
	[tilespmem:$0xA280] =	vst v63  }
0x1d1: {  	s5 =	simm.s32 @!p0 $0xF  }
0x1d2: {  	_ =	swait.ge @!p0 [sflag:s5], $0x800  }
0x1d3: {  	[sflag:s5] =	ssyncset.done @!p0 $0x0  }
0x1d4: {  	[sflag:s5] =	ssyncadd.s32 @!p0 $0xFFFFF800;
	s5 =	simm.s32 @!p0 $0x100  }
0x1d5: {  	v3 =	vld.idx.msk @!p0 [tilespmem:v2+s5+$0x0], $0xffff;
	_ =	sdelay $0x2  }
0x1d6: {  	v4 =	vlaneseq.u32 @!p0  }
0x1d7: {  	v4 =	vmul.u32 @!p0 $0x80, v4  }
0x1d8: {  	v3 =	vand.u32 @!p0 $0x7F, v3  }
0x1d9: {  	v3 =	vor.u32 @!p0 v4, v3  }
0x1da: {  	v2 =	vand.u32 @!p0 $0xFFFFFFFE, v2  }
0x1db: {  	v2 =	vadd.s32 @!p0 v4, v2;
	v4 =	vmov @!p0 s30  }
0x1dc: {  	v4 =	vand.u32 @!p0 $0xFFFFFFFE, v4  }
0x1dd: {  	s5 =	simm.s32 @!p0 $0x7180;
	v4 =	vbroadcast @!p0 v4, $0x0  }
0x1de: {  	v3 =	vld.idx.msk @!p0 [tilespmem:v3+s5+$0x0], $0xffff  }
0x1df: {  	v1 =	vpsel p0, v1, v4;
	_ =	sdelay $0x2  }
0x1e0: {  	s5 =	simm.s32 @!p0 $0x9980  }
0x1e1: {  	[tilespmem:v2+s5+$0x0] =	vst.idx.msk @!p0 $0xffff, v3  }
0x1e2: {  	v1 =	vld.idx.msk [tilespmem:v1+s19+$0x0], $0xffff;
	_ =	sdelay $0x4  }
0x1e3: {  	v1 =	vand.u32 $0xFFFFFF80, v1  }
0x1e4: {  	v1 =	vxor.u32 $0x80000000, v1  }
0x1e5: {  	(xrf0) =	vmax.scan.msk.u32 $0xffff, v1;
	_ =	sdelay $0x5  }
0x1e6: {  	v1, _, _ =	vpop (xrf0)  }
0x1e7: {  	(v2sf) =	vpush v1, $0xF;
	_ =	sdelay $0xd  }
.Ltmp24:
0x1e8: {  	_ = 	snop;
	(pc) =	sbr.rel @!p0 .LBB2_32-.Ltmp24, $4  }
0x1e9: {  	s10 =	spop (v2sf)  }
0x1ea: {  	s5 =	sand.u32 $0x1FFFFF80, s10  }
0x1eb: {  	p1 =	por $0x0, $0x0;
	s30 =	simm.s32 $0x7180;
	s5 =	sadd.s32 s2, s5  }
0x1ec: {  	[tilespmem:s30], [sflag:$0xF] =	stream.strided.gather [hbm4b:s5+s20], $0x800, s8, s20, $0x38;
	[tilespmem:$0xA280] =	vst v63  }
.Ltmp25:
0x1ed: {  	(pc) =	sbr.rel .LBB2_33-.Ltmp25, $2  }
0x1ee: {  	_ =	sdelay $0x2  }
0x1ef: {  	s16 =	sadd.s32 $0xFFFFFFFF, s16;
	s10 =	simm.s32 $0x3  }
.LBB2_32:
0x1f0: {  	s16 =	sadd.s32 $0xFFFFFFFC, s12  }
0x1f1: {  	v1 =	vmov s16;
	_ =	sdelay $0x1  }
0x1f2: {  	_ =	swait.ge [sflag:s26], $0x800  }
0x1f3: {  	[sflag:s26] =	ssyncset.done $0x0  }
0x1f4: {  	[sflag:s26] =	ssyncadd.s32 $0xFFFFF800  }
0x1f5: {  	v2 =	vld.idx.msk [tilespmem:v1+s6+$0x0], $0xffff;
	_ =	sdelay $0x4  }
0x1f6: {  	v2 =	vand.u32 $0x7F, v2  }
0x1f7: {  	v2 =	vor.u32 v0, v2;
	_ =	sdelay $0x3  }
0x1f8: {  	s5 =	simm.s32 $0x1980  }
0x1f9: {  	v3 =	vld.idx.msk [tilespmem:v2+s5+$0x0], $0xffff;
	v2 =	vadd.s32 s16, v0  }
.Ltmp26:
0x1fa: {  	_ = 	snop;
	(pc) =	sbr.rel @p1 .LBB2_35-.Ltmp26, $2  }
0x1fb: {  	_ =	sdelay $0x2  }
0x1fc: {  	p2 =	por $0x1, $0x1;
	s10 =	smov.u32 s12;
	[tilespmem:v2+s0+$0x0] =	vst.idx.msk $0xffff, v3  }
.LBB2_33:
0x1fd: {  	v1 =	vmov s10;
	_ =	sdelay $0x4  }
0x1fe: {  	v2 =	vld.idx.msk [tilespmem:v1+s6+$0x0], $0xffff;
	_ =	sdelay $0x4  }
0x1ff: {  	v2 =	vand.u32 $0xFFFFFF80, v2  }
0x200: {  	v2 =	vxor.u32 $0x80000000, v2  }
0x201: {  	(xrf0) =	vmax.scan.msk.u32 $0xffff, v2;
	_ =	sdelay $0x5  }
0x202: {  	v2, _, _ =	vpop (xrf0)  }
0x203: {  	(v2sf) =	vpush v2, $0xF;
	_ =	sdelay $0xd  }
.Ltmp27:
0x204: {  	_ = 	snop;
	(pc) =	sbr.rel @p0 .LBB2_37-.Ltmp27, $4  }
0x205: {  	s5 =	spop (v2sf)  }
0x206: {  	s5 =	sand.u32 $0x1FFFFF80, s5  }
0x207: {  	s30 =	simm.s32 $0x1980;
	s5 =	sadd.s32 s1, s5  }
0x208: {  	[tilespmem:s30], [sflag:$0x4] =	stream.strided.gather [hbm4b:s5+s20], $0x800, s8, s20, $0x38;
	[tilespmem:$0xA280] =	vst v63  }
0x209: {  	v1 =	vmov s16;
	v2 =	vadd.s32 s16, v0;
	p2 =	por $0x0, $0x0  }
.LBB2_35:
0x20a: {  	_ = 	snop  }
0x20b: {  	_ =	swait.ge [sflag:s21], $0x800  }
0x20c: {  	[sflag:s21] =	ssyncset.done $0x0  }
0x20d: {  	[sflag:s21] =	ssyncadd.s32 $0xFFFFF800  }
0x20e: {  	v3 =	vld.idx.msk [tilespmem:v1+s6+$0x0], $0xffff;
	_ =	sdelay $0x4  }
0x20f: {  	v3 =	vand.u32 $0x7F, v3  }
0x210: {  	v3 =	vor.u32 v0, v3;
	_ =	sdelay $0x3  }
0x211: {  	s5 =	simm.s32 $0x3980  }
0x212: {  	v3 =	vld.idx.msk [tilespmem:v3+s5+$0x0], $0xffff  }
.Ltmp28:
0x213: {  	_ = 	snop;
	(pc) =	sbr.rel @p2 .LBB2_39-.Ltmp28, $2  }
0x214: {  	_ =	sdelay $0x2  }
0x215: {  	p1 =	por $0x1, $0x1;
	[tilespmem:v2+s24+$0x0] =	vst.idx.msk $0xffff, v3  }
0x216: {  	v1 =	vmov s10  }
.LBB2_37:
0x217: {  	_ =	sdelay $0x3  }
0x218: {  	v2 =	vld.idx.msk [tilespmem:v1+s6+$0x0], $0xffff;
	_ =	sdelay $0x4  }
0x219: {  	v2 =	vand.u32 $0xFFFFFF80, v2  }
0x21a: {  	v2 =	vxor.u32 $0x80000000, v2  }
0x21b: {  	(xrf0) =	vmax.scan.msk.u32 $0xffff, v2;
	_ =	sdelay $0x5  }
0x21c: {  	v2, _, _ =	vpop (xrf0)  }
0x21d: {  	(v2sf) =	vpush v2, $0xF;
	_ =	sdelay $0xd  }
.Ltmp29:
0x21e: {  	_ = 	snop;
	(pc) =	sbr.rel @p0 .LBB2_41-.Ltmp29, $4  }
0x21f: {  	s5 =	spop (v2sf)  }
0x220: {  	s5 =	sand.u32 $0x1FFFFF80, s5  }
0x221: {  	s30 =	simm.s32 $0x3980;
	s5 =	sadd.s32 s3, s5  }
0x222: {  	[tilespmem:s30], [sflag:$0x8] =	stream.strided.gather [hbm4b:s5+s20], $0x800, s8, s20, $0x38;
	[tilespmem:$0xA280] =	vst v63  }
0x223: {  	v1 =	vmov s16;
	v2 =	vadd.s32 s16, v0;
	p1 =	por $0x0, $0x0  }
.LBB2_39:
0x224: {  	_ = 	snop  }
0x225: {  	_ =	swait.ge [sflag:s17], $0x800  }
0x226: {  	[sflag:s17] =	ssyncset.done $0x0  }
0x227: {  	[sflag:s17] =	ssyncadd.s32 $0xFFFFF800  }
0x228: {  	v3 =	vld.idx.msk [tilespmem:v1+s18+$0x0], $0xffff;
	_ =	sdelay $0x4  }
0x229: {  	v3 =	vand.u32 $0x7F, v3  }
0x22a: {  	v3 =	vor.u32 v0, v3;
	_ =	sdelay $0x3  }
0x22b: {  	s5 =	simm.s32 $0x5980  }
0x22c: {  	v3 =	vld.idx.msk [tilespmem:v3+s5+$0x0], $0xffff  }
.Ltmp30:
0x22d: {  	_ = 	snop;
	(pc) =	sbr.rel @p1 .LBB2_42-.Ltmp30, $2  }
0x22e: {  	_ =	sdelay $0x2  }
0x22f: {  	[tilespmem:v2+s28+$0x0] =	vst.idx.msk $0xffff, v3  }
0x230: {  	v1 =	vmov s10  }
.LBB2_41:
0x231: {  	_ =	sdelay $0x3  }
0x232: {  	v2 =	vld.idx.msk [tilespmem:v1+s18+$0x0], $0xffff;
	_ =	sdelay $0x4  }
0x233: {  	v2 =	vand.u32 $0xFFFFFF80, v2  }
0x234: {  	v2 =	vxor.u32 $0x80000000, v2  }
0x235: {  	(xrf0) =	vmax.scan.msk.u32 $0xffff, v2;
	_ =	sdelay $0x5  }
0x236: {  	v2, _, _ =	vpop (xrf0)  }
0x237: {  	(v2sf) =	vpush v2, $0xF;
	_ =	sdelay $0xe  }
0x238: {  	s5 =	spop (v2sf)  }
0x239: {  	s5 =	sand.u32 $0x1FFFFF80, s5  }
0x23a: {  	s30 =	simm.s32 $0x5980;
	s5 =	sadd.s32 s2, s5  }
0x23b: {  	v2 =	vmov @!p0 s16;
	[tilespmem:s30], [sflag:$0xC] =	stream.strided.gather [hbm4b:s5+s20], $0x800, s8, s20, $0x38;
	[tilespmem:$0xA280] =	vst v63  }
0x23c: {  	s5 =	simm.s32 @!p0 $0x10  }
0x23d: {  	_ =	swait.ge @!p0 [sflag:s5], $0x800  }
0x23e: {  	[sflag:s5] =	ssyncset.done @!p0 $0x0  }
0x23f: {  	[sflag:s5] =	ssyncadd.s32 @!p0 $0xFFFFF800;
	s5 =	simm.s32 @!p0 $0x100  }
0x240: {  	v2 =	vld.idx.msk @!p0 [tilespmem:v2+s5+$0x0], $0xffff;
	_ =	sdelay $0x2  }
0x241: {  	v3 =	vlaneseq.u32 @!p0  }
0x242: {  	v3 =	vmul.u32 @!p0 $0x80, v3  }
0x243: {  	v2 =	vand.u32 @!p0 $0x7F, v2  }
0x244: {  	v2 =	vor.u32 @!p0 v3, v2;
	_ =	sdelay $0x3  }
0x245: {  	s5 =	simm.s32 @!p0 $0x7980  }
0x246: {  	v4 =	vmov @!p0 s10;
	v3 =	vadd.s32 @!p0 s16, v3;
	v2 =	vld.idx.msk @!p0 [tilespmem:v2+s5+$0x0], $0xffff  }
0x247: {  	v1 =	vpsel p0, v1, v4;
	_ =	sdelay $0x2  }
0x248: {  	s5 =	simm.s32 @!p0 $0x9980  }
0x249: {  	[tilespmem:v3+s5+$0x0] =	vst.idx.msk @!p0 $0xffff, v2  }
0x24a: {  	v1 =	vld.idx.msk [tilespmem:v1+s19+$0x0], $0xffff;
	_ =	sdelay $0x4  }
0x24b: {  	v1 =	vand.u32 $0xFFFFFF80, v1  }
0x24c: {  	v1 =	vxor.u32 $0x80000000, v1  }
0x24d: {  	(xrf0) =	vmax.scan.msk.u32 $0xffff, v1;
	_ =	sdelay $0x5  }
0x24e: {  	v1, _, _ =	vpop (xrf0)  }
0x24f: {  	(v2sf) =	vpush v1, $0xF;
	_ =	sdelay $0xd  }
.Ltmp31:
0x250: {  	_ = 	snop;
	(pc) =	sbr.rel .LBB2_43-.Ltmp31, $4  }
0x251: {  	s16 =	spop (v2sf)  }
0x252: {  	s5 =	sand.u32 $0x1FFFFF80, s16  }
0x253: {  	s30 =	simm.s32 $0x7980;
	s5 =	sadd.s32 s2, s5  }
0x254: {  	[tilespmem:s30], [sflag:$0x10] =	stream.strided.gather [hbm4b:s5+s20], $0x800, s8, s20, $0x38;
	[tilespmem:$0xA280] =	vst v63  }
.LBB2_45:
0x255: {  	_ =	sfence.sel $0x180000  }
0x256: {  	[bflag:$0x0] =	sbarrier.arrive $0xFFFF  }
0x257: {  	_ =	strace $0x90000047  }
0x258: {  	s0 =	stileid.u32;
	[bflag:$0x2] =	sbarrier.arrive $0xFFFF  }
0x259: {  	p0 =	sne.s32 s0, $0x0;
	s0 =	rddreg [dreg:$0xd]  }
0x25a: {  	s0 =	sadd.s32 @!p0 $0x100000, s0  }
0x25b: {  	[sflag:s0] =	ssyncadd.tile.s32 @!p0 $0x1;
	_ =	shalt  }
.Lfunc_end2:
_tile_overlayer_lowered:
.L_overlay_start_2:
0x25c: {  	(tag) =	ssettag $0x2  }
0x25d: {  	s0 =	rddreg [dreg:$0x0];
	s2 =	stileid.u32  }
0x25e: {  	s1 =	rddreg [dreg:$0x1];
	p0 =	sne.s32 s2, $0x0  }
0x25f: {  	s3 =	rddreg [dreg:$0x2];
	[bflag:$0x3] =	sbarrier.arrive $0xFFFF;
	s2 =	simm.s32 @!p0 $0x1C12  }
0x260: {  	[timem:s3], [sflag:s2] =	dma.local @!p0 [hbm:s0], s1  }
0x261: {  	s0 =	simm.s32 @!p0 $0x12  }
0x262: {  	_ =	swait.ge @!p0 [sflag:s0], s1  }
0x263: {  	s1 =	ssub.s32 @!p0 $0x0, s1;
	[sflag:s0] =	ssyncset.done @!p0 $0x0  }
0x264: {  	[sflag:s0] =	ssyncadd.s32 @!p0 s1  }
0x265: {  	[bflag:$0x3] =	sbarrier.arrive $0xFFFF  }
0x266: {  	_ =	shalt  }

</sc_bundles>
